<compile_context>
chip_gen: v7x
topology: tpu7x:2x2x1
jax: 0.10.2.dev20260603
libtpu: 0.0.44.dev20260713+nightly
codegen_flags: <defaults>
</compile_context>

<pallas_src>
import jax
import jax.numpy as jnp
from jax import lax
from jax.experimental import pallas as pl
from jax.experimental.pallas import tpu as pltpu
from jax.experimental.pallas import tpu_sc as plsc

_NC, _NS = 2, 16
_NW = _NC * _NS
_R = 16
_L = 16
_E = 512
_BS = 512


def _sc_body(x_hbm, pe_hbm, out_hbm, pebuf, xbuf, lsem, ssem):
    s_full = pe_hbm.shape[0]
    h = pe_hbm.shape[1]
    n_batch = x_hbm.shape[0] // s_full
    parts = _NW // n_batch
    rows_per_part = _E // parts
    n_chunks = rows_per_part // _R
    seq_lo = s_full - _E

    wid = lax.axis_index("s") * _NC + lax.axis_index("c")
    b = wid // parts
    part = lax.rem(wid, parts)
    pe_base = seq_lo + part * rows_per_part
    x_base = b * s_full + pe_base
    out_base = b * _E + part * rows_per_part

    def start_loads(c, pb):
        r0 = c * _R
        pltpu.make_async_copy(
            pe_hbm.at[pl.ds(pe_base + r0, _R), :], pebuf.at[pb], lsem
        ).start()
        pltpu.make_async_copy(
            x_hbm.at[pl.ds(x_base + r0, _R), :], xbuf.at[pb], lsem
        ).start()

    def wait_loads(pb):
        pltpu.make_async_copy(pe_hbm.at[pl.ds(0, _R), :], pebuf.at[pb], lsem).wait()
        pltpu.make_async_copy(x_hbm.at[pl.ds(0, _R), :], xbuf.at[pb], lsem).wait()

    def start_store(c, pb):
        pltpu.make_async_copy(
            xbuf.at[pb], out_hbm.at[pl.ds(out_base + c * _R, _R), :], ssem
        ).start()

    def drain_one_store(pb):
        pltpu.make_async_copy(
            xbuf.at[pb], out_hbm.at[pl.ds(0, _R), :], ssem
        ).wait()

    start_loads(0, 0)

    def step(c, _):
        pb = lax.rem(c, 2)
        wait_loads(pb)

        @pl.when(c + 1 < n_chunks)
        def _():
            @pl.when(c >= 1)
            def _():
                drain_one_store(1 - pb)

            start_loads(c + 1, 1 - pb)

        for r in range(_R):
            @plsc.parallel_loop(0, h, _L, unroll=8)
            def _(j, r=r):
                xbuf[pb, r, pl.ds(j, _L)] = (
                    xbuf[pb, r, pl.ds(j, _L)] + pebuf[pb, r, pl.ds(j, _L)]
                )

        start_store(c, pb)
        return 0

    lax.fori_loop(0, n_chunks, step, 0)

    for _i in range(2):
        drain_one_store(0)


def _tc_body(x_ref, pe_ref, out_ref):
    out_ref[0] = x_ref[0] + pe_ref[...]


def kernel(x, pe_table):
    B, S, H = x.shape
    s_tc = S - _E
    x2d = x.reshape(B * S, H)

    mesh = plsc.VectorSubcoreMesh(
        core_axis_name="c", subcore_axis_name="s", num_cores=_NC, num_subcores=_NS
    )
    sc_out = pl.kernel(
        _sc_body,
        out_type=jax.ShapeDtypeStruct((B * _E, H), x.dtype),
        mesh=mesh,
        scratch_types=[
            pltpu.VMEM((2, _R, H), x.dtype),
            pltpu.VMEM((2, _R, H), x.dtype),
            pltpu.SemaphoreType.DMA,
            pltpu.SemaphoreType.DMA,
        ],
    )(x2d, pe_table[:S])

    tc_out = pl.pallas_call(
        _tc_body,
        grid=(s_tc // _BS, B),
        in_specs=[
            pl.BlockSpec((1, _BS, H), lambda s, b: (b, s, 0)),
            pl.BlockSpec((_BS, H), lambda s, b: (s, 0)),
        ],
        out_specs=pl.BlockSpec((1, _BS, H), lambda s, b: (b, s, 0)),
        out_shape=jax.ShapeDtypeStruct((B, s_tc, H), x.dtype),
    )(x, pe_table)

    return jnp.concatenate([tc_out, sc_out.reshape(B, _E, H)], axis=1)

# --- scband reference (transcript-rebuilt; emitter-appended) ---
"""Pipeline reference for scband-learned-positional-encoding-7679401525780 (READ-ONLY COPY).

The authoritative reference and input builder live on the scoring server;
editing this copy changes nothing except your own understanding.
"""

import jax, jax.numpy as jnp
import numpy as np

HIDDEN_DIM = 1024
MAX_LEN = 8192
BATCH = 4
SEQ_LEN = 8192

def setup_inputs(seed: int = 0) -> dict:
    key = jax.random.key(seed)
    k1, k2 = jax.random.split(key)
    x = jax.random.normal(k1, (BATCH, SEQ_LEN, HIDDEN_DIM), dtype=jnp.float32)
    pe_table = jax.random.normal(k2, (MAX_LEN, HIDDEN_DIM), dtype=jnp.float32) * 0.02
    return {"x": x, "pe_table": pe_table}

def reference(x, pe_table):
    batch_size, seq_len, hidden_dim = x.shape
    position_ids = jnp.tile(jnp.arange(seq_len, dtype=jnp.int64)[None, :], (batch_size, 1))
    pe = jnp.take(pe_table, position_ids, axis=0)
    return x + pe

if __name__ == "__main__":
    import jax
    _d = setup_inputs()
    print(jax.jit(kernel)(*tuple(_d.values())))

</pallas_src>

<mosaic_0001>
#map = affine_map<(d0, d1) -> (0, 0)>
module attributes {stable_mosaic.version = 14 : i64} {
  func.func @_sc_body(%arg0: i32, %arg1: i32, %arg2: memref<32768x1024xf32, #tpu.memory_space<hbm>>, %arg3: memref<8192x1024xf32, #tpu.memory_space<hbm>>, %arg4: memref<2048x1024xf32, #tpu.memory_space<hbm>>, %arg5: memref<2x16x1024xf32, #tpu.memory_space<vmem>>, %arg6: memref<2x16x1024xf32, #tpu.memory_space<vmem>>, %arg7: memref<!tpu.dma_semaphore, #tpu.memory_space<semaphore_mem>>, %arg8: memref<!tpu.dma_semaphore, #tpu.memory_space<semaphore_mem>>) attributes {dimension_semantics = [#tpu.dimension_semantics<core_parallel>, #tpu.dimension_semantics<subcore_parallel>], iteration_bounds = array<i64: 2, 16>, scalar_prefetch = 0 : i64, scratch_operands = 4 : i64, tpu.core_type = #tpu.core_type<sc_vector_subcore>, window_params = [{transform_indices = #map}, {transform_indices = #map}, {transform_indices = #map}]} {
    %mul3A = arith.constant 2 : i32
    %mul3A_0 = arith.muli %arg1, %mul3A : i32
    %add3A = arith.addi %mul3A_0, %arg0 : i32
    %jit3A = arith.constant 8 : i32
    %div3A = arith.divsi %add3A, %jit3A : i32
    %sign3A = arith.constant 0 : i32
    %sign3A_1 = arith.cmpi sgt, %add3A, %sign3A : i32
    %sign3A_2 = arith.extui %sign3A_1 : i1 to i32
    %sign3A_3 = arith.constant 0 : i32
    %sign3A_4 = arith.cmpi slt, %add3A, %sign3A_3 : i32
    %sign3A_5 = arith.extui %sign3A_4 : i1 to i32
    %sign3A_6 = arith.subi %sign3A_2, %sign3A_5 : i32
    %sign3A_7 = arith.constant 0 : i32
    %sign3A_8 = arith.cmpi sgt, %jit3A, %sign3A_7 : i32
    %sign3A_9 = arith.extui %sign3A_8 : i1 to i32
    %sign3A_10 = arith.constant 0 : i32
    %sign3A_11 = arith.cmpi slt, %jit3A, %sign3A_10 : i32
    %sign3A_12 = arith.extui %sign3A_11 : i1 to i32
    %sign3A_13 = arith.subi %sign3A_9, %sign3A_12 : i32
    %ne3A = arith.cmpi ne, %sign3A_6, %sign3A_13 : i32
    %rem3A = arith.remsi %add3A, %jit3A : i32
    %ne3A_14 = arith.constant 0 : i32
    %ne3A_15 = arith.cmpi ne, %rem3A, %ne3A_14 : i32
    %and3A = arith.andi %ne3A, %ne3A_15 : i1
    %sub3A = arith.constant 1 : i32
    %sub3A_16 = arith.subi %div3A, %sub3A : i32
    %select_n3A = arith.select %and3A, %sub3A_16, %div3A : i32
    %rem3A_17 = arith.constant 8 : i32
    %rem3A_18 = arith.remsi %add3A, %rem3A_17 : i32
    %mul3A_19 = arith.constant 64 : i32
    %mul3A_20 = arith.muli %rem3A_18, %mul3A_19 : i32
    %add3A_21 = arith.constant 7680 : i32
    %add3A_22 = arith.addi %add3A_21, %mul3A_20 : i32
    %mul3A_23 = arith.constant 8192 : i32
    %mul3A_24 = arith.muli %select_n3A, %mul3A_23 : i32
    %add3A_25 = arith.addi %mul3A_24, %add3A_22 : i32
    %mul3A_26 = arith.constant 512 : i32
    %mul3A_27 = arith.muli %select_n3A, %mul3A_26 : i32
    %mul3A_28 = arith.constant 64 : i32
    %mul3A_29 = arith.muli %rem3A_18, %mul3A_28 : i32
    %add3A_30 = arith.addi %mul3A_27, %mul3A_29 : i32
    %add3A_31 = arith.constant 0 : i32
    %add3A_32 = arith.addi %add3A_22, %add3A_31 : i32
    %dma_start3A = arith.constant 0 : i32
    %dma_start3A_33 = arith.constant 0 : i32
    %dma_start3A_34 = arith.constant 0 : i32
    %dma_start3A_35 = tpu.memref_slice %arg5[%dma_start3A, %dma_start3A_33, %dma_start3A_34] : memref<2x16x1024xf32, #tpu.memory_space<vmem>> -> memref<1x16x1024xf32, #tpu.memory_space<vmem>>
    %dma_start3A_36 = tpu.memref_squeeze %dma_start3A_35 : memref<1x16x1024xf32, #tpu.memory_space<vmem>> -> memref<16x1024xf32, #tpu.memory_space<vmem>>
    %dma_start3A_37 = arith.constant 0 : i32
    %dma_start3A_38 = tpu.memref_slice %arg3[%add3A_32, %dma_start3A_37] : memref<8192x1024xf32, #tpu.memory_space<hbm>> -> memref<16x1024xf32, #tpu.memory_space<hbm>>
    %dma_start3A_39 = arith.constant 0 : i32
    %dma_start3A_40 = arith.constant 0 : i32
    %dma_start3A_41 = tpu.memref_slice %arg5[%dma_start3A, %dma_start3A_39, %dma_start3A_40] : memref<2x16x1024xf32, #tpu.memory_space<vmem>> -> memref<1x16x1024xf32, #tpu.memory_space<vmem>>
    %dma_start3A_42 = tpu.memref_squeeze %dma_start3A_41 : memref<1x16x1024xf32, #tpu.memory_space<vmem>> -> memref<16x1024xf32, #tpu.memory_space<vmem>>
    %dma_start3A_43 = arith.constant 0 : i32
    %dma_start3A_44 = tpu.memref_slice %arg3[%add3A_32, %dma_start3A_43] : memref<8192x1024xf32, #tpu.memory_space<hbm>> -> memref<16x1024xf32, #tpu.memory_space<hbm>>
    tpu.enqueue_dma source(%dma_start3A_44 : memref<16x1024xf32, #tpu.memory_space<hbm>>) target(%dma_start3A_42 : memref<16x1024xf32, #tpu.memory_space<vmem>>) target_semaphore(%arg7 : memref<!tpu.dma_semaphore, #tpu.memory_space<semaphore_mem>>)
    %add3A_45 = arith.constant 0 : i32
    %add3A_46 = arith.addi %add3A_25, %add3A_45 : i32
    %dma_start3A_47 = arith.constant 0 : i32
    %dma_start3A_48 = arith.constant 0 : i32
    %dma_start3A_49 = arith.constant 0 : i32
    %dma_start3A_50 = tpu.memref_slice %arg6[%dma_start3A_47, %dma_start3A_48, %dma_start3A_49] : memref<2x16x1024xf32, #tpu.memory_space<vmem>> -> memref<1x16x1024xf32, #tpu.memory_space<vmem>>
    %dma_start3A_51 = tpu.memref_squeeze %dma_start3A_50 : memref<1x16x1024xf32, #tpu.memory_space<vmem>> -> memref<16x1024xf32, #tpu.memory_space<vmem>>
    %dma_start3A_52 = arith.constant 0 : i32
    %dma_start3A_53 = tpu.memref_slice %arg2[%add3A_46, %dma_start3A_52] : memref<32768x1024xf32, #tpu.memory_space<hbm>> -> memref<16x1024xf32, #tpu.memory_space<hbm>>
    %dma_start3A_54 = arith.constant 0 : i32
    %dma_start3A_55 = arith.constant 0 : i32
    %dma_start3A_56 = tpu.memref_slice %arg6[%dma_start3A_47, %dma_start3A_54, %dma_start3A_55] : memref<2x16x1024xf32, #tpu.memory_space<vmem>> -> memref<1x16x1024xf32, #tpu.memory_space<vmem>>
    %dma_start3A_57 = tpu.memref_squeeze %dma_start3A_56 : memref<1x16x1024xf32, #tpu.memory_space<vmem>> -> memref<16x1024xf32, #tpu.memory_space<vmem>>
    %dma_start3A_58 = arith.constant 0 : i32
    %dma_start3A_59 = tpu.memref_slice %arg2[%add3A_46, %dma_start3A_58] : memref<32768x1024xf32, #tpu.memory_space<hbm>> -> memref<16x1024xf32, #tpu.memory_space<hbm>>
    tpu.enqueue_dma source(%dma_start3A_59 : memref<16x1024xf32, #tpu.memory_space<hbm>>) target(%dma_start3A_57 : memref<16x1024xf32, #tpu.memory_space<vmem>>) target_semaphore(%arg7 : memref<!tpu.dma_semaphore, #tpu.memory_space<semaphore_mem>>)
    %scan3A = arith.constant 0 : i32
    %scan3A_60 = arith.constant 0 : i32
    %scan3A_61 = arith.constant 4 : i32
    %scan3A_62 = arith.addi %scan3A_60, %scan3A_61 : i32
    %scan3A_63 = arith.constant 1 : i32
    %scan3A_64 = scf.for %scan3A_95 = %scan3A_60 to %scan3A_62 step %scan3A_63 iter_args(%scan3A_96 = %scan3A) -> (i32)  : i32 {
      %rem3A_97 = arith.constant 2 : i32
      %rem3A_98 = arith.remsi %scan3A_95, %rem3A_97 : i32
      %dma_wait3A_99 = arith.constant 0 : i32
      %dma_wait3A_100 = arith.constant 0 : i32
      %dma_wait3A_101 = tpu.memref_slice %arg5[%rem3A_98, %dma_wait3A_99, %dma_wait3A_100] : memref<2x16x1024xf32, #tpu.memory_space<vmem>> -> memref<1x16x1024xf32, #tpu.memory_space<vmem>>
      %dma_wait3A_102 = tpu.memref_squeeze %dma_wait3A_101 : memref<1x16x1024xf32, #tpu.memory_space<vmem>> -> memref<16x1024xf32, #tpu.memory_space<vmem>>
      %dma_wait3A_103 = arith.constant 0 : i32
      %dma_wait3A_104 = arith.constant 0 : i32
      %dma_wait3A_105 = tpu.memref_slice %arg3[%dma_wait3A_103, %dma_wait3A_104] : memref<8192x1024xf32, #tpu.memory_space<hbm>> -> memref<16x1024xf32, #tpu.memory_space<hbm>>
      %dma_wait3A_106 = arith.constant 0 : i32
      %dma_wait3A_107 = arith.constant 0 : i32
      %dma_wait3A_108 = tpu.memref_slice %arg5[%rem3A_98, %dma_wait3A_106, %dma_wait3A_107] : memref<2x16x1024xf32, #tpu.memory_space<vmem>> -> memref<1x16x1024xf32, #tpu.memory_space<vmem>>
      %dma_wait3A_109 = tpu.memref_squeeze %dma_wait3A_108 : memref<1x16x1024xf32, #tpu.memory_space<vmem>> -> memref<16x1024xf32, #tpu.memory_space<vmem>>
      %dma_wait3A_110 = arith.constant 0 : i32
      %dma_wait3A_111 = arith.constant 0 : i32
      %dma_wait3A_112 = tpu.memref_slice %arg3[%dma_wait3A_110, %dma_wait3A_111] : memref<8192x1024xf32, #tpu.memory_space<hbm>> -> memref<16x1024xf32, #tpu.memory_space<hbm>>
      tpu.wait_dma2 semaphore(%arg7 : memref<!tpu.dma_semaphore, #tpu.memory_space<semaphore_mem>>) src(%dma_wait3A_112 : memref<16x1024xf32, #tpu.memory_space<hbm>>) dst(%dma_wait3A_109 : memref<16x1024xf32, #tpu.memory_space<vmem>>)
      %dma_wait3A_113 = arith.constant 0 : i32
      %dma_wait3A_114 = arith.constant 0 : i32
      %dma_wait3A_115 = tpu.memref_slice %arg6[%rem3A_98, %dma_wait3A_113, %dma_wait3A_114] : memref<2x16x1024xf32, #tpu.memory_space<vmem>> -> memref<1x16x1024xf32, #tpu.memory_space<vmem>>
      %dma_wait3A_116 = tpu.memref_squeeze %dma_wait3A_115 : memref<1x16x1024xf32, #tpu.memory_space<vmem>> -> memref<16x1024xf32, #tpu.memory_space<vmem>>
      %dma_wait3A_117 = arith.constant 0 : i32
      %dma_wait3A_118 = arith.constant 0 : i32
      %dma_wait3A_119 = tpu.memref_slice %arg2[%dma_wait3A_117, %dma_wait3A_118] : memref<32768x1024xf32, #tpu.memory_space<hbm>> -> memref<16x1024xf32, #tpu.memory_space<hbm>>
      %dma_wait3A_120 = arith.constant 0 : i32
      %dma_wait3A_121 = arith.constant 0 : i32
      %dma_wait3A_122 = tpu.memref_slice %arg6[%rem3A_98, %dma_wait3A_120, %dma_wait3A_121] : memref<2x16x1024xf32, #tpu.memory_space<vmem>> -> memref<1x16x1024xf32, #tpu.memory_space<vmem>>
      %dma_wait3A_123 = tpu.memref_squeeze %dma_wait3A_122 : memref<1x16x1024xf32, #tpu.memory_space<vmem>> -> memref<16x1024xf32, #tpu.memory_space<vmem>>
      %dma_wait3A_124 = arith.constant 0 : i32
      %dma_wait3A_125 = arith.constant 0 : i32
      %dma_wait3A_126 = tpu.memref_slice %arg2[%dma_wait3A_124, %dma_wait3A_125] : memref<32768x1024xf32, #tpu.memory_space<hbm>> -> memref<16x1024xf32, #tpu.memory_space<hbm>>
      tpu.wait_dma2 semaphore(%arg7 : memref<!tpu.dma_semaphore, #tpu.memory_space<semaphore_mem>>) src(%dma_wait3A_126 : memref<16x1024xf32, #tpu.memory_space<hbm>>) dst(%dma_wait3A_123 : memref<16x1024xf32, #tpu.memory_space<vmem>>)
      %add3A_127 = arith.constant 1 : i32
      %add3A_128 = arith.addi %scan3A_95, %add3A_127 : i32
      %lt3A = arith.constant 4 : i32
      %lt3A_129 = arith.cmpi slt, %add3A_128, %lt3A : i32
      %convert_element_type3A = arith.extui %lt3A_129 : i1 to i32
      %cond3A = arith.constant 0 : i32
      %cond3A_130 = arith.cmpi ne, %convert_element_type3A, %cond3A : i32
      scf.if %cond3A_130 {
        %ge3A = arith.constant 1 : i32
        %ge3A_194 = arith.cmpi sge, %scan3A_95, %ge3A : i32
        %convert_element_type3A_195 = arith.extui %ge3A_194 : i1 to i32
        %cond3A_196 = arith.constant 0 : i32
        %cond3A_197 = arith.cmpi ne, %convert_element_type3A_195, %cond3A_196 : i32
        scf.if %cond3A_197 {
          %sub3A_230 = arith.constant 1 : i32
          %sub3A_231 = arith.subi %sub3A_230, %rem3A_98 : i32
          %dma_wait3A_232 = arith.constant 0 : i32
          %dma_wait3A_233 = arith.constant 0 : i32
          %dma_wait3A_234 = tpu.memref_slice %arg6[%sub3A_231, %dma_wait3A_232, %dma_wait3A_233] : memref<2x16x1024xf32, #tpu.memory_space<vmem>> -> memref<1x16x1024xf32, #tpu.memory_space<vmem>>
          %dma_wait3A_235 = tpu.memref_squeeze %dma_wait3A_234 : memref<1x16x1024xf32, #tpu.memory_space<vmem>> -> memref<16x1024xf32, #tpu.memory_space<vmem>>
          %dma_wait3A_236 = arith.constant 0 : i32
          %dma_wait3A_237 = arith.constant 0 : i32
          %dma_wait3A_238 = tpu.memref_slice %arg4[%dma_wait3A_236, %dma_wait3A_237] : memref<2048x1024xf32, #tpu.memory_space<hbm>> -> memref<16x1024xf32, #tpu.memory_space<hbm>>
          %dma_wait3A_239 = arith.constant 0 : i32
          %dma_wait3A_240 = arith.constant 0 : i32
          %dma_wait3A_241 = tpu.memref_slice %arg4[%dma_wait3A_239, %dma_wait3A_240] : memref<2048x1024xf32, #tpu.memory_space<hbm>> -> memref<16x1024xf32, #tpu.memory_space<hbm>>
          %dma_wait3A_242 = arith.constant 0 : i32
          %dma_wait3A_243 = arith.constant 0 : i32
          %dma_wait3A_244 = tpu.memref_slice %arg6[%sub3A_231, %dma_wait3A_242, %dma_wait3A_243] : memref<2x16x1024xf32, #tpu.memory_space<vmem>> -> memref<1x16x1024xf32, #tpu.memory_space<vmem>>
          %dma_wait3A_245 = tpu.memref_squeeze %dma_wait3A_244 : memref<1x16x1024xf32, #tpu.memory_space<vmem>> -> memref<16x1024xf32, #tpu.memory_space<vmem>>
          tpu.wait_dma2 semaphore(%arg8 : memref<!tpu.dma_semaphore, #tpu.memory_space<semaphore_mem>>) src(%dma_wait3A_245 : memref<16x1024xf32, #tpu.memory_space<vmem>>) dst(%dma_wait3A_241 : memref<16x1024xf32, #tpu.memory_space<hbm>>)
        } else {
        }
        %add3A_198 = arith.constant 1 : i32
        %add3A_199 = arith.addi %scan3A_95, %add3A_198 : i32
        %sub3A_200 = arith.constant 1 : i32
        %sub3A_201 = arith.subi %sub3A_200, %rem3A_98 : i32
        %mul3A_202 = arith.constant 16 : i32
        %mul3A_203 = arith.muli %add3A_199, %mul3A_202 : i32
        %add3A_204 = arith.addi %add3A_22, %mul3A_203 : i32
        %dma_start3A_205 = arith.constant 0 : i32
        %dma_start3A_206 = arith.constant 0 : i32
        %dma_start3A_207 = tpu.memref_slice %arg5[%sub3A_201, %dma_start3A_205, %dma_start3A_206] : memref<2x16x1024xf32, #tpu.memory_space<vmem>> -> memref<1x16x1024xf32, #tpu.memory_space<vmem>>
        %dma_start3A_208 = tpu.memref_squeeze %dma_start3A_207 : memref<1x16x1024xf32, #tpu.memory_space<vmem>> -> memref<16x1024xf32, #tpu.memory_space<vmem>>
        %dma_start3A_209 = arith.constant 0 : i32
        %dma_start3A_210 = tpu.memref_slice %arg3[%add3A_204, %dma_start3A_209] : memref<8192x1024xf32, #tpu.memory_space<hbm>> -> memref<16x1024xf32, #tpu.memory_space<hbm>>
        %dma_start3A_211 = arith.constant 0 : i32
        %dma_start3A_212 = arith.constant 0 : i32
        %dma_start3A_213 = tpu.memref_slice %arg5[%sub3A_201, %dma_start3A_211, %dma_start3A_212] : memref<2x16x1024xf32, #tpu.memory_space<vmem>> -> memref<1x16x1024xf32, #tpu.memory_space<vmem>>
        %dma_start3A_214 = tpu.memref_squeeze %dma_start3A_213 : memref<1x16x1024xf32, #tpu.memory_space<vmem>> -> memref<16x1024xf32, #tpu.memory_space<vmem>>
        %dma_start3A_215 = arith.constant 0 : i32
        %dma_start3A_216 = tpu.memref_slice %arg3[%add3A_204, %dma_start3A_215] : memref<8192x1024xf32, #tpu.memory_space<hbm>> -> memref<16x1024xf32, #tpu.memory_space<hbm>>
        tpu.enqueue_dma source(%dma_start3A_216 : memref<16x1024xf32, #tpu.memory_space<hbm>>) target(%dma_start3A_214 : memref<16x1024xf32, #tpu.memory_space<vmem>>) target_semaphore(%arg7 : memref<!tpu.dma_semaphore, #tpu.memory_space<semaphore_mem>>)
        %add3A_217 = arith.addi %add3A_25, %mul3A_203 : i32
        %dma_start3A_218 = arith.constant 0 : i32
        %dma_start3A_219 = arith.constant 0 : i32
        %dma_start3A_220 = tpu.memref_slice %arg6[%sub3A_201, %dma_start3A_218, %dma_start3A_219] : memref<2x16x1024xf32, #tpu.memory_space<vmem>> -> memref<1x16x1024xf32, #tpu.memory_space<vmem>>
        %dma_start3A_221 = tpu.memref_squeeze %dma_start3A_220 : memref<1x16x1024xf32, #tpu.memory_space<vmem>> -> memref<16x1024xf32, #tpu.memory_space<vmem>>
        %dma_start3A_222 = arith.constant 0 : i32
        %dma_start3A_223 = tpu.memref_slice %arg2[%add3A_217, %dma_start3A_222] : memref<32768x1024xf32, #tpu.memory_space<hbm>> -> memref<16x1024xf32, #tpu.memory_space<hbm>>
        %dma_start3A_224 = arith.constant 0 : i32
        %dma_start3A_225 = arith.constant 0 : i32
        %dma_start3A_226 = tpu.memref_slice %arg6[%sub3A_201, %dma_start3A_224, %dma_start3A_225] : memref<2x16x1024xf32, #tpu.memory_space<vmem>> -> memref<1x16x1024xf32, #tpu.memory_space<vmem>>
        %dma_start3A_227 = tpu.memref_squeeze %dma_start3A_226 : memref<1x16x1024xf32, #tpu.memory_space<vmem>> -> memref<16x1024xf32, #tpu.memory_space<vmem>>
        %dma_start3A_228 = arith.constant 0 : i32
        %dma_start3A_229 = tpu.memref_slice %arg2[%add3A_217, %dma_start3A_228] : memref<32768x1024xf32, #tpu.memory_space<hbm>> -> memref<16x1024xf32, #tpu.memory_space<hbm>>
        tpu.enqueue_dma source(%dma_start3A_229 : memref<16x1024xf32, #tpu.memory_space<hbm>>) target(%dma_start3A_227 : memref<16x1024xf32, #tpu.memory_space<vmem>>) target_semaphore(%arg7 : memref<!tpu.dma_semaphore, #tpu.memory_space<semaphore_mem>>)
      } else {
      }
      %parallel_loop3A = arith.constant 0 : i32
      %parallel_loop3A_131 = arith.constant 1024 : i32
      %parallel_loop3A_132 = arith.constant 16 : i32
      scf.for %parallel_loop3A_194 = %parallel_loop3A to %parallel_loop3A_131 step %parallel_loop3A_132  : i32 {
        %parallel_loop3A_195 = arith.constant 0 : i32
        %parallel_loop3A_196 = arith.index_cast %rem3A_98 : i32 to index
        %parallel_loop3A_197 = arith.index_cast %parallel_loop3A_195 : i32 to index
        %parallel_loop3A_198 = arith.index_cast %parallel_loop3A_194 : i32 to index
        %parallel_loop3A_199 = tpu.vector_load %arg6[%parallel_loop3A_196, %parallel_loop3A_197, %parallel_loop3A_198] {strides = array<i32>} : memref<2x16x1024xf32, #tpu.memory_space<vmem>>, vector<1x1x16xf32>,
        %parallel_loop3A_200 = vector.shape_cast %parallel_loop3A_199 : vector<1x1x16xf32> to vector<16xf32>
        %parallel_loop3A_201 = arith.constant 0 : i32
        %parallel_loop3A_202 = arith.index_cast %rem3A_98 : i32 to index
        %parallel_loop3A_203 = arith.index_cast %parallel_loop3A_201 : i32 to index
        %parallel_loop3A_204 = arith.index_cast %parallel_loop3A_194 : i32 to index
        %parallel_loop3A_205 = tpu.vector_load %arg5[%parallel_loop3A_202, %parallel_loop3A_203, %parallel_loop3A_204] {strides = array<i32>} : memref<2x16x1024xf32, #tpu.memory_space<vmem>>, vector<1x1x16xf32>,
        %parallel_loop3A_206 = vector.shape_cast %parallel_loop3A_205 : vector<1x1x16xf32> to vector<16xf32>
        %parallel_loop3A_207 = arith.addf %parallel_loop3A_200, %parallel_loop3A_206 : vector<16xf32>
        %parallel_loop3A_208 = arith.constant 0 : i32
        %parallel_loop3A_209 = arith.index_cast %rem3A_98 : i32 to index
        %parallel_loop3A_210 = arith.index_cast %parallel_loop3A_208 : i32 to index
        %parallel_loop3A_211 = arith.index_cast %parallel_loop3A_194 : i32 to index
        %parallel_loop3A_212 = tpu.vector_load %arg6[%parallel_loop3A_209, %parallel_loop3A_210, %parallel_loop3A_211] {strides = array<i32>} : memref<2x16x1024xf32, #tpu.memory_space<vmem>>, vector<1x1x16xf32>,
        %parallel_loop3A_213 = vector.shape_cast %parallel_loop3A_212 : vector<1x1x16xf32> to vector<16xf32>
        %parallel_loop3A_214 = vector.shape_cast %parallel_loop3A_207 : vector<16xf32> to vector<1x1x16xf32>
        tpu.vector_store %arg6[%parallel_loop3A_209, %parallel_loop3A_210, %parallel_loop3A_211], %parallel_loop3A_214 {strides = array<i32>} : memref<2x16x1024xf32, #tpu.memory_space<vmem>>, vector<1x1x16xf32>,
      } {sc.loop_unroll_factor = 8 : i64, sc.parallel_access}
      %parallel_loop3A_133 = arith.constant 0 : i32
      %parallel_loop3A_134 = arith.constant 1024 : i32
      %parallel_loop3A_135 = arith.constant 16 : i32
      scf.for %parallel_loop3A_194 = %parallel_loop3A_133 to %parallel_loop3A_134 step %parallel_loop3A_135  : i32 {
        %parallel_loop3A_195 = arith.constant 1 : i32
        %parallel_loop3A_196 = arith.index_cast %rem3A_98 : i32 to index
        %parallel_loop3A_197 = arith.index_cast %parallel_loop3A_195 : i32 to index
        %parallel_loop3A_198 = arith.index_cast %parallel_loop3A_194 : i32 to index
        %parallel_loop3A_199 = tpu.vector_load %arg6[%parallel_loop3A_196, %parallel_loop3A_197, %parallel_loop3A_198] {strides = array<i32>} : memref<2x16x1024xf32, #tpu.memory_space<vmem>>, vector<1x1x16xf32>,
        %parallel_loop3A_200 = vector.shape_cast %parallel_loop3A_199 : vector<1x1x16xf32> to vector<16xf32>
        %parallel_loop3A_201 = arith.constant 1 : i32
        %parallel_loop3A_202 = arith.index_cast %rem3A_98 : i32 to index
        %parallel_loop3A_203 = arith.index_cast %parallel_loop3A_201 : i32 to index
        %parallel_loop3A_204 = arith.index_cast %parallel_loop3A_194 : i32 to index
        %parallel_loop3A_205 = tpu.vector_load %arg5[%parallel_loop3A_202, %parallel_loop3A_203, %parallel_loop3A_204] {strides = array<i32>} : memref<2x16x1024xf32, #tpu.memory_space<vmem>>, vector<1x1x16xf32>,
        %parallel_loop3A_206 = vector.shape_cast %parallel_loop3A_205 : vector<1x1x16xf32> to vector<16xf32>
        %parallel_loop3A_207 = arith.addf %parallel_loop3A_200, %parallel_loop3A_206 : vector<16xf32>
        %parallel_loop3A_208 = arith.constant 1 : i32
        %parallel_loop3A_209 = arith.index_cast %rem3A_98 : i32 to index
        %parallel_loop3A_210 = arith.index_cast %parallel_loop3A_208 : i32 to index
        %parallel_loop3A_211 = arith.index_cast %parallel_loop3A_194 : i32 to index
        %parallel_loop3A_212 = tpu.vector_load %arg6[%parallel_loop3A_209, %parallel_loop3A_210, %parallel_loop3A_211] {strides = array<i32>} : memref<2x16x1024xf32, #tpu.memory_space<vmem>>, vector<1x1x16xf32>,
        %parallel_loop3A_213 = vector.shape_cast %parallel_loop3A_212 : vector<1x1x16xf32> to vector<16xf32>
        %parallel_loop3A_214 = vector.shape_cast %parallel_loop3A_207 : vector<16xf32> to vector<1x1x16xf32>
        tpu.vector_store %arg6[%parallel_loop3A_209, %parallel_loop3A_210, %parallel_loop3A_211], %parallel_loop3A_214 {strides = array<i32>} : memref<2x16x1024xf32, #tpu.memory_space<vmem>>, vector<1x1x16xf32>,
      } {sc.loop_unroll_factor = 8 : i64, sc.parallel_access}
      %parallel_loop3A_136 = arith.constant 0 : i32
      %parallel_loop3A_137 = arith.constant 1024 : i32
      %parallel_loop3A_138 = arith.constant 16 : i32
      scf.for %parallel_loop3A_194 = %parallel_loop3A_136 to %parallel_loop3A_137 step %parallel_loop3A_138  : i32 {
        %parallel_loop3A_195 = arith.constant 2 : i32
        %parallel_loop3A_196 = arith.index_cast %rem3A_98 : i32 to index
        %parallel_loop3A_197 = arith.index_cast %parallel_loop3A_195 : i32 to index
        %parallel_loop3A_198 = arith.index_cast %parallel_loop3A_194 : i32 to index
        %parallel_loop3A_199 = tpu.vector_load %arg6[%parallel_loop3A_196, %parallel_loop3A_197, %parallel_loop3A_198] {strides = array<i32>} : memref<2x16x1024xf32, #tpu.memory_space<vmem>>, vector<1x1x16xf32>,
        %parallel_loop3A_200 = vector.shape_cast %parallel_loop3A_199 : vector<1x1x16xf32> to vector<16xf32>
        %parallel_loop3A_201 = arith.constant 2 : i32
        %parallel_loop3A_202 = arith.index_cast %rem3A_98 : i32 to index
        %parallel_loop3A_203 = arith.index_cast %parallel_loop3A_201 : i32 to index
        %parallel_loop3A_204 = arith.index_cast %parallel_loop3A_194 : i32 to index
        %parallel_loop3A_205 = tpu.vector_load %arg5[%parallel_loop3A_202, %parallel_loop3A_203, %parallel_loop3A_204] {strides = array<i32>} : memref<2x16x1024xf32, #tpu.memory_space<vmem>>, vector<1x1x16xf32>,
        %parallel_loop3A_206 = vector.shape_cast %parallel_loop3A_205 : vector<1x1x16xf32> to vector<16xf32>
        %parallel_loop3A_207 = arith.addf %parallel_loop3A_200, %parallel_loop3A_206 : vector<16xf32>
        %parallel_loop3A_208 = arith.constant 2 : i32
        %parallel_loop3A_209 = arith.index_cast %rem3A_98 : i32 to index
        %parallel_loop3A_210 = arith.index_cast %parallel_loop3A_208 : i32 to index
        %parallel_loop3A_211 = arith.index_cast %parallel_loop3A_194 : i32 to index
        %parallel_loop3A_212 = tpu.vector_load %arg6[%parallel_loop3A_209, %parallel_loop3A_210, %parallel_loop3A_211] {strides = array<i32>} : memref<2x16x1024xf32, #tpu.memory_space<vmem>>, vector<1x1x16xf32>,
        %parallel_loop3A_213 = vector.shape_cast %parallel_loop3A_212 : vector<1x1x16xf32> to vector<16xf32>
        %parallel_loop3A_214 = vector.shape_cast %parallel_loop3A_207 : vector<16xf32> to vector<1x1x16xf32>
        tpu.vector_store %arg6[%parallel_loop3A_209, %parallel_loop3A_210, %parallel_loop3A_211], %parallel_loop3A_214 {strides = array<i32>} : memref<2x16x1024xf32, #tpu.memory_space<vmem>>, vector<1x1x16xf32>,
      } {sc.loop_unroll_factor = 8 : i64, sc.parallel_access}
      %parallel_loop3A_139 = arith.constant 0 : i32
      %parallel_loop3A_140 = arith.constant 1024 : i32
      %parallel_loop3A_141 = arith.constant 16 : i32
      scf.for %parallel_loop3A_194 = %parallel_loop3A_139 to %parallel_loop3A_140 step %parallel_loop3A_141  : i32 {
        %parallel_loop3A_195 = arith.constant 3 : i32
        %parallel_loop3A_196 = arith.index_cast %rem3A_98 : i32 to index
        %parallel_loop3A_197 = arith.index_cast %parallel_loop3A_195 : i32 to index
        %parallel_loop3A_198 = arith.index_cast %parallel_loop3A_194 : i32 to index
        %parallel_loop3A_199 = tpu.vector_load %arg6[%parallel_loop3A_196, %parallel_loop3A_197, %parallel_loop3A_198] {strides = array<i32>} : memref<2x16x1024xf32, #tpu.memory_space<vmem>>, vector<1x1x16xf32>,
        %parallel_loop3A_200 = vector.shape_cast %parallel_loop3A_199 : vector<1x1x16xf32> to vector<16xf32>
        %parallel_loop3A_201 = arith.constant 3 : i32
        %parallel_loop3A_202 = arith.index_cast %rem3A_98 : i32 to index
        %parallel_loop3A_203 = arith.index_cast %parallel_loop3A_201 : i32 to index
        %parallel_loop3A_204 = arith.index_cast %parallel_loop3A_194 : i32 to index
        %parallel_loop3A_205 = tpu.vector_load %arg5[%parallel_loop3A_202, %parallel_loop3A_203, %parallel_loop3A_204] {strides = array<i32>} : memref<2x16x1024xf32, #tpu.memory_space<vmem>>, vector<1x1x16xf32>,
        %parallel_loop3A_206 = vector.shape_cast %parallel_loop3A_205 : vector<1x1x16xf32> to vector<16xf32>
        %parallel_loop3A_207 = arith.addf %parallel_loop3A_200, %parallel_loop3A_206 : vector<16xf32>
        %parallel_loop3A_208 = arith.constant 3 : i32
        %parallel_loop3A_209 = arith.index_cast %rem3A_98 : i32 to index
        %parallel_loop3A_210 = arith.index_cast %parallel_loop3A_208 : i32 to index
        %parallel_loop3A_211 = arith.index_cast %parallel_loop3A_194 : i32 to index
        %parallel_loop3A_212 = tpu.vector_load %arg6[%parallel_loop3A_209, %parallel_loop3A_210, %parallel_loop3A_211] {strides = array<i32>} : memref<2x16x1024xf32, #tpu.memory_space<vmem>>, vector<1x1x16xf32>,
        %parallel_loop3A_213 = vector.shape_cast %parallel_loop3A_212 : vector<1x1x16xf32> to vector<16xf32>
        %parallel_loop3A_214 = vector.shape_cast %parallel_loop3A_207 : vector<16xf32> to vector<1x1x16xf32>
        tpu.vector_store %arg6[%parallel_loop3A_209, %parallel_loop3A_210, %parallel_loop3A_211], %parallel_loop3A_214 {strides = array<i32>} : memref<2x16x1024xf32, #tpu.memory_space<vmem>>, vector<1x1x16xf32>,
      } {sc.loop_unroll_factor = 8 : i64, sc.parallel_access}
      %parallel_loop3A_142 = arith.constant 0 : i32
      %parallel_loop3A_143 = arith.constant 1024 : i32
      %parallel_loop3A_144 = arith.constant 16 : i32
      scf.for %parallel_loop3A_194 = %parallel_loop3A_142 to %parallel_loop3A_143 step %parallel_loop3A_144  : i32 {
        %parallel_loop3A_195 = arith.constant 4 : i32
        %parallel_loop3A_196 = arith.index_cast %rem3A_98 : i32 to index
        %parallel_loop3A_197 = arith.index_cast %parallel_loop3A_195 : i32 to index
        %parallel_loop3A_198 = arith.index_cast %parallel_loop3A_194 : i32 to index
        %parallel_loop3A_199 = tpu.vector_load %arg6[%parallel_loop3A_196, %parallel_loop3A_197, %parallel_loop3A_198] {strides = array<i32>} : memref<2x16x1024xf32, #tpu.memory_space<vmem>>, vector<1x1x16xf32>,
        %parallel_loop3A_200 = vector.shape_cast %parallel_loop3A_199 : vector<1x1x16xf32> to vector<16xf32>
        %parallel_loop3A_201 = arith.constant 4 : i32
        %parallel_loop3A_202 = arith.index_cast %rem3A_98 : i32 to index
        %parallel_loop3A_203 = arith.index_cast %parallel_loop3A_201 : i32 to index
        %parallel_loop3A_204 = arith.index_cast %parallel_loop3A_194 : i32 to index
        %parallel_loop3A_205 = tpu.vector_load %arg5[%parallel_loop3A_202, %parallel_loop3A_203, %parallel_loop3A_204] {strides = array<i32>} : memref<2x16x1024xf32, #tpu.memory_space<vmem>>, vector<1x1x16xf32>,
        %parallel_loop3A_206 = vector.shape_cast %parallel_loop3A_205 : vector<1x1x16xf32> to vector<16xf32>
        %parallel_loop3A_207 = arith.addf %parallel_loop3A_200, %parallel_loop3A_206 : vector<16xf32>
        %parallel_loop3A_208 = arith.constant 4 : i32
        %parallel_loop3A_209 = arith.index_cast %rem3A_98 : i32 to index
        %parallel_loop3A_210 = arith.index_cast %parallel_loop3A_208 : i32 to index
        %parallel_loop3A_211 = arith.index_cast %parallel_loop3A_194 : i32 to index
        %parallel_loop3A_212 = tpu.vector_load %arg6[%parallel_loop3A_209, %parallel_loop3A_210, %parallel_loop3A_211] {strides = array<i32>} : memref<2x16x1024xf32, #tpu.memory_space<vmem>>, vector<1x1x16xf32>,
        %parallel_loop3A_213 = vector.shape_cast %parallel_loop3A_212 : vector<1x1x16xf32> to vector<16xf32>
        %parallel_loop3A_214 = vector.shape_cast %parallel_loop3A_207 : vector<16xf32> to vector<1x1x16xf32>
        tpu.vector_store %arg6[%parallel_loop3A_209, %parallel_loop3A_210, %parallel_loop3A_211], %parallel_loop3A_214 {strides = array<i32>} : memref<2x16x1024xf32, #tpu.memory_space<vmem>>, vector<1x1x16xf32>,
      } {sc.loop_unroll_factor = 8 : i64, sc.parallel_access}
      %parallel_loop3A_145 = arith.constant 0 : i32
      %parallel_loop3A_146 = arith.constant 1024 : i32
      %parallel_loop3A_147 = arith.constant 16 : i32
      scf.for %parallel_loop3A_194 = %parallel_loop3A_145 to %parallel_loop3A_146 step %parallel_loop3A_147  : i32 {
        %parallel_loop3A_195 = arith.constant 5 : i32
        %parallel_loop3A_196 = arith.index_cast %rem3A_98 : i32 to index
        %parallel_loop3A_197 = arith.index_cast %parallel_loop3A_195 : i32 to index
        %parallel_loop3A_198 = arith.index_cast %parallel_loop3A_194 : i32 to index
        %parallel_loop3A_199 = tpu.vector_load %arg6[%parallel_loop3A_196, %parallel_loop3A_197, %parallel_loop3A_198] {strides = array<i32>} : memref<2x16x1024xf32, #tpu.memory_space<vmem>>, vector<1x1x16xf32>,
        %parallel_loop3A_200 = vector.shape_cast %parallel_loop3A_199 : vector<1x1x16xf32> to vector<16xf32>
        %parallel_loop3A_201 = arith.constant 5 : i32
        %parallel_loop3A_202 = arith.index_cast %rem3A_98 : i32 to index
        %parallel_loop3A_203 = arith.index_cast %parallel_loop3A_201 : i32 to index
        %parallel_loop3A_204 = arith.index_cast %parallel_loop3A_194 : i32 to index
        %parallel_loop3A_205 = tpu.vector_load %arg5[%parallel_loop3A_202, %parallel_loop3A_203, %parallel_loop3A_204] {strides = array<i32>} : memref<2x16x1024xf32, #tpu.memory_space<vmem>>, vector<1x1x16xf32>,
        %parallel_loop3A_206 = vector.shape_cast %parallel_loop3A_205 : vector<1x1x16xf32> to vector<16xf32>
        %parallel_loop3A_207 = arith.addf %parallel_loop3A_200, %parallel_loop3A_206 : vector<16xf32>
        %parallel_loop3A_208 = arith.constant 5 : i32
        %parallel_loop3A_209 = arith.index_cast %rem3A_98 : i32 to index
        %parallel_loop3A_210 = arith.index_cast %parallel_loop3A_208 : i32 to index
        %parallel_loop3A_211 = arith.index_cast %parallel_loop3A_194 : i32 to index
        %parallel_loop3A_212 = tpu.vector_load %arg6[%parallel_loop3A_209, %parallel_loop3A_210, %parallel_loop3A_211] {strides = array<i32>} : memref<2x16x1024xf32, #tpu.memory_space<vmem>>, vector<1x1x16xf32>,
        %parallel_loop3A_213 = vector.shape_cast %parallel_loop3A_212 : vector<1x1x16xf32> to vector<16xf32>
        %parallel_loop3A_214 = vector.shape_cast %parallel_loop3A_207 : vector<16xf32> to vector<1x1x16xf32>
        tpu.vector_store %arg6[%parallel_loop3A_209, %parallel_loop3A_210, %parallel_loop3A_211], %parallel_loop3A_214 {strides = array<i32>} : memref<2x16x1024xf32, #tpu.memory_space<vmem>>, vector<1x1x16xf32>,
      } {sc.loop_unroll_factor = 8 : i64, sc.parallel_access}
      %parallel_loop3A_148 = arith.constant 0 : i32
      %parallel_loop3A_149 = arith.constant 1024 : i32
      %parallel_loop3A_150 = arith.constant 16 : i32
      scf.for %parallel_loop3A_194 = %parallel_loop3A_148 to %parallel_loop3A_149 step %parallel_loop3A_150  : i32 {
        %parallel_loop3A_195 = arith.constant 6 : i32
        %parallel_loop3A_196 = arith.index_cast %rem3A_98 : i32 to index
        %parallel_loop3A_197 = arith.index_cast %parallel_loop3A_195 : i32 to index
        %parallel_loop3A_198 = arith.index_cast %parallel_loop3A_194 : i32 to index
        %parallel_loop3A_199 = tpu.vector_load %arg6[%parallel_loop3A_196, %parallel_loop3A_197, %parallel_loop3A_198] {strides = array<i32>} : memref<2x16x1024xf32, #tpu.memory_space<vmem>>, vector<1x1x16xf32>,
        %parallel_loop3A_200 = vector.shape_cast %parallel_loop3A_199 : vector<1x1x16xf32> to vector<16xf32>
        %parallel_loop3A_201 = arith.constant 6 : i32
        %parallel_loop3A_202 = arith.index_cast %rem3A_98 : i32 to index
        %parallel_loop3A_203 = arith.index_cast %parallel_loop3A_201 : i32 to index
        %parallel_loop3A_204 = arith.index_cast %parallel_loop3A_194 : i32 to index
        %parallel_loop3A_205 = tpu.vector_load %arg5[%parallel_loop3A_202, %parallel_loop3A_203, %parallel_loop3A_204] {strides = array<i32>} : memref<2x16x1024xf32, #tpu.memory_space<vmem>>, vector<1x1x16xf32>,
        %parallel_loop3A_206 = vector.shape_cast %parallel_loop3A_205 : vector<1x1x16xf32> to vector<16xf32>
        %parallel_loop3A_207 = arith.addf %parallel_loop3A_200, %parallel_loop3A_206 : vector<16xf32>
        %parallel_loop3A_208 = arith.constant 6 : i32
        %parallel_loop3A_209 = arith.index_cast %rem3A_98 : i32 to index
        %parallel_loop3A_210 = arith.index_cast %parallel_loop3A_208 : i32 to index
        %parallel_loop3A_211 = arith.index_cast %parallel_loop3A_194 : i32 to index
        %parallel_loop3A_212 = tpu.vector_load %arg6[%parallel_loop3A_209, %parallel_loop3A_210, %parallel_loop3A_211] {strides = array<i32>} : memref<2x16x1024xf32, #tpu.memory_space<vmem>>, vector<1x1x16xf32>,
        %parallel_loop3A_213 = vector.shape_cast %parallel_loop3A_212 : vector<1x1x16xf32> to vector<16xf32>
        %parallel_loop3A_214 = vector.shape_cast %parallel_loop3A_207 : vector<16xf32> to vector<1x1x16xf32>
        tpu.vector_store %arg6[%parallel_loop3A_209, %parallel_loop3A_210, %parallel_loop3A_211], %parallel_loop3A_214 {strides = array<i32>} : memref<2x16x1024xf32, #tpu.memory_space<vmem>>, vector<1x1x16xf32>,
      } {sc.loop_unroll_factor = 8 : i64, sc.parallel_access}
      %parallel_loop3A_151 = arith.constant 0 : i32
      %parallel_loop3A_152 = arith.constant 1024 : i32
      %parallel_loop3A_153 = arith.constant 16 : i32
      scf.for %parallel_loop3A_194 = %parallel_loop3A_151 to %parallel_loop3A_152 step %parallel_loop3A_153  : i32 {
        %parallel_loop3A_195 = arith.constant 7 : i32
        %parallel_loop3A_196 = arith.index_cast %rem3A_98 : i32 to index
        %parallel_loop3A_197 = arith.index_cast %parallel_loop3A_195 : i32 to index
        %parallel_loop3A_198 = arith.index_cast %parallel_loop3A_194 : i32 to index
        %parallel_loop3A_199 = tpu.vector_load %arg6[%parallel_loop3A_196, %parallel_loop3A_197, %parallel_loop3A_198] {strides = array<i32>} : memref<2x16x1024xf32, #tpu.memory_space<vmem>>, vector<1x1x16xf32>,
        %parallel_loop3A_200 = vector.shape_cast %parallel_loop3A_199 : vector<1x1x16xf32> to vector<16xf32>
        %parallel_loop3A_201 = arith.constant 7 : i32
        %parallel_loop3A_202 = arith.index_cast %rem3A_98 : i32 to index
        %parallel_loop3A_203 = arith.index_cast %parallel_loop3A_201 : i32 to index
        %parallel_loop3A_204 = arith.index_cast %parallel_loop3A_194 : i32 to index
        %parallel_loop3A_205 = tpu.vector_load %arg5[%parallel_loop3A_202, %parallel_loop3A_203, %parallel_loop3A_204] {strides = array<i32>} : memref<2x16x1024xf32, #tpu.memory_space<vmem>>, vector<1x1x16xf32>,
        %parallel_loop3A_206 = vector.shape_cast %parallel_loop3A_205 : vector<1x1x16xf32> to vector<16xf32>
        %parallel_loop3A_207 = arith.addf %parallel_loop3A_200, %parallel_loop3A_206 : vector<16xf32>
        %parallel_loop3A_208 = arith.constant 7 : i32
        %parallel_loop3A_209 = arith.index_cast %rem3A_98 : i32 to index
        %parallel_loop3A_210 = arith.index_cast %parallel_loop3A_208 : i32 to index
        %parallel_loop3A_211 = arith.index_cast %parallel_loop3A_194 : i32 to index
        %parallel_loop3A_212 = tpu.vector_load %arg6[%parallel_loop3A_209, %parallel_loop3A_210, %parallel_loop3A_211] {strides = array<i32>} : memref<2x16x1024xf32, #tpu.memory_space<vmem>>, vector<1x1x16xf32>,
        %parallel_loop3A_213 = vector.shape_cast %parallel_loop3A_212 : vector<1x1x16xf32> to vector<16xf32>
        %parallel_loop3A_214 = vector.shape_cast %parallel_loop3A_207 : vector<16xf32> to vector<1x1x16xf32>
        tpu.vector_store %arg6[%parallel_loop3A_209, %parallel_loop3A_210, %parallel_loop3A_211], %parallel_loop3A_214 {strides = array<i32>} : memref<2x16x1024xf32, #tpu.memory_space<vmem>>, vector<1x1x16xf32>,
      } {sc.loop_unroll_factor = 8 : i64, sc.parallel_access}
      %parallel_loop3A_154 = arith.constant 0 : i32
      %parallel_loop3A_155 = arith.constant 1024 : i32
      %parallel_loop3A_156 = arith.constant 16 : i32
      scf.for %parallel_loop3A_194 = %parallel_loop3A_154 to %parallel_loop3A_155 step %parallel_loop3A_156  : i32 {
        %parallel_loop3A_195 = arith.constant 8 : i32
        %parallel_loop3A_196 = arith.index_cast %rem3A_98 : i32 to index
        %parallel_loop3A_197 = arith.index_cast %parallel_loop3A_195 : i32 to index
        %parallel_loop3A_198 = arith.index_cast %parallel_loop3A_194 : i32 to index
        %parallel_loop3A_199 = tpu.vector_load %arg6[%parallel_loop3A_196, %parallel_loop3A_197, %parallel_loop3A_198] {strides = array<i32>} : memref<2x16x1024xf32, #tpu.memory_space<vmem>>, vector<1x1x16xf32>,
        %parallel_loop3A_200 = vector.shape_cast %parallel_loop3A_199 : vector<1x1x16xf32> to vector<16xf32>
        %parallel_loop3A_201 = arith.constant 8 : i32
        %parallel_loop3A_202 = arith.index_cast %rem3A_98 : i32 to index
        %parallel_loop3A_203 = arith.index_cast %parallel_loop3A_201 : i32 to index
        %parallel_loop3A_204 = arith.index_cast %parallel_loop3A_194 : i32 to index
        %parallel_loop3A_205 = tpu.vector_load %arg5[%parallel_loop3A_202, %parallel_loop3A_203, %parallel_loop3A_204] {strides = array<i32>} : memref<2x16x1024xf32, #tpu.memory_space<vmem>>, vector<1x1x16xf32>,
        %parallel_loop3A_206 = vector.shape_cast %parallel_loop3A_205 : vector<1x1x16xf32> to vector<16xf32>
        %parallel_loop3A_207 = arith.addf %parallel_loop3A_200, %parallel_loop3A_206 : vector<16xf32>
        %parallel_loop3A_208 = arith.constant 8 : i32
        %parallel_loop3A_209 = arith.index_cast %rem3A_98 : i32 to index
        %parallel_loop3A_210 = arith.index_cast %parallel_loop3A_208 : i32 to index
        %parallel_loop3A_211 = arith.index_cast %parallel_loop3A_194 : i32 to index
        %parallel_loop3A_212 = tpu.vector_load %arg6[%parallel_loop3A_209, %parallel_loop3A_210, %parallel_loop3A_211] {strides = array<i32>} : memref<2x16x1024xf32, #tpu.memory_space<vmem>>, vector<1x1x16xf32>,
        %parallel_loop3A_213 = vector.shape_cast %parallel_loop3A_212 : vector<1x1x16xf32> to vector<16xf32>
        %parallel_loop3A_214 = vector.shape_cast %parallel_loop3A_207 : vector<16xf32> to vector<1x1x16xf32>
        tpu.vector_store %arg6[%parallel_loop3A_209, %parallel_loop3A_210, %parallel_loop3A_211], %parallel_loop3A_214 {strides = array<i32>} : memref<2x16x1024xf32, #tpu.memory_space<vmem>>, vector<1x1x16xf32>,
      } {sc.loop_unroll_factor = 8 : i64, sc.parallel_access}
      %parallel_loop3A_157 = arith.constant 0 : i32
      %parallel_loop3A_158 = arith.constant 1024 : i32
      %parallel_loop3A_159 = arith.constant 16 : i32
      scf.for %parallel_loop3A_194 = %parallel_loop3A_157 to %parallel_loop3A_158 step %parallel_loop3A_159  : i32 {
        %parallel_loop3A_195 = arith.constant 9 : i32
        %parallel_loop3A_196 = arith.index_cast %rem3A_98 : i32 to index
        %parallel_loop3A_197 = arith.index_cast %parallel_loop3A_195 : i32 to index
        %parallel_loop3A_198 = arith.index_cast %parallel_loop3A_194 : i32 to index
        %parallel_loop3A_199 = tpu.vector_load %arg6[%parallel_loop3A_196, %parallel_loop3A_197, %parallel_loop3A_198] {strides = array<i32>} : memref<2x16x1024xf32, #tpu.memory_space<vmem>>, vector<1x1x16xf32>,
        %parallel_loop3A_200 = vector.shape_cast %parallel_loop3A_199 : vector<1x1x16xf32> to vector<16xf32>
        %parallel_loop3A_201 = arith.constant 9 : i32
        %parallel_loop3A_202 = arith.index_cast %rem3A_98 : i32 to index
        %parallel_loop3A_203 = arith.index_cast %parallel_loop3A_201 : i32 to index
        %parallel_loop3A_204 = arith.index_cast %parallel_loop3A_194 : i32 to index
        %parallel_loop3A_205 = tpu.vector_load %arg5[%parallel_loop3A_202, %parallel_loop3A_203, %parallel_loop3A_204] {strides = array<i32>} : memref<2x16x1024xf32, #tpu.memory_space<vmem>>, vector<1x1x16xf32>,
        %parallel_loop3A_206 = vector.shape_cast %parallel_loop3A_205 : vector<1x1x16xf32> to vector<16xf32>
        %parallel_loop3A_207 = arith.addf %parallel_loop3A_200, %parallel_loop3A_206 : vector<16xf32>
        %parallel_loop3A_208 = arith.constant 9 : i32
        %parallel_loop3A_209 = arith.index_cast %rem3A_98 : i32 to index
        %parallel_loop3A_210 = arith.index_cast %parallel_loop3A_208 : i32 to index
        %parallel_loop3A_211 = arith.index_cast %parallel_loop3A_194 : i32 to index
        %parallel_loop3A_212 = tpu.vector_load %arg6[%parallel_loop3A_209, %parallel_loop3A_210, %parallel_loop3A_211] {strides = array<i32>} : memref<2x16x1024xf32, #tpu.memory_space<vmem>>, vector<1x1x16xf32>,
        %parallel_loop3A_213 = vector.shape_cast %parallel_loop3A_212 : vector<1x1x16xf32> to vector<16xf32>
        %parallel_loop3A_214 = vector.shape_cast %parallel_loop3A_207 : vector<16xf32> to vector<1x1x16xf32>
        tpu.vector_store %arg6[%parallel_loop3A_209, %parallel_loop3A_210, %parallel_loop3A_211], %parallel_loop3A_214 {strides = array<i32>} : memref<2x16x1024xf32, #tpu.memory_space<vmem>>, vector<1x1x16xf32>,
      } {sc.loop_unroll_factor = 8 : i64, sc.parallel_access}
      %parallel_loop3A_160 = arith.constant 0 : i32
      %parallel_loop3A_161 = arith.constant 1024 : i32
      %parallel_loop3A_162 = arith.constant 16 : i32
      scf.for %parallel_loop3A_194 = %parallel_loop3A_160 to %parallel_loop3A_161 step %parallel_loop3A_162  : i32 {
        %parallel_loop3A_195 = arith.constant 10 : i32
        %parallel_loop3A_196 = arith.index_cast %rem3A_98 : i32 to index
        %parallel_loop3A_197 = arith.index_cast %parallel_loop3A_195 : i32 to index
        %parallel_loop3A_198 = arith.index_cast %parallel_loop3A_194 : i32 to index
        %parallel_loop3A_199 = tpu.vector_load %arg6[%parallel_loop3A_196, %parallel_loop3A_197, %parallel_loop3A_198] {strides = array<i32>} : memref<2x16x1024xf32, #tpu.memory_space<vmem>>, vector<1x1x16xf32>,
        %parallel_loop3A_200 = vector.shape_cast %parallel_loop3A_199 : vector<1x1x16xf32> to vector<16xf32>
        %parallel_loop3A_201 = arith.constant 10 : i32
        %parallel_loop3A_202 = arith.index_cast %rem3A_98 : i32 to index
        %parallel_loop3A_203 = arith.index_cast %parallel_loop3A_201 : i32 to index
        %parallel_loop3A_204 = arith.index_cast %parallel_loop3A_194 : i32 to index
        %parallel_loop3A_205 = tpu.vector_load %arg5[%parallel_loop3A_202, %parallel_loop3A_203, %parallel_loop3A_204] {strides = array<i32>} : memref<2x16x1024xf32, #tpu.memory_space<vmem>>, vector<1x1x16xf32>,
        %parallel_loop3A_206 = vector.shape_cast %parallel_loop3A_205 : vector<1x1x16xf32> to vector<16xf32>
        %parallel_loop3A_207 = arith.addf %parallel_loop3A_200, %parallel_loop3A_206 : vector<16xf32>
        %parallel_loop3A_208 = arith.constant 10 : i32
        %parallel_loop3A_209 = arith.index_cast %rem3A_98 : i32 to index
        %parallel_loop3A_210 = arith.index_cast %parallel_loop3A_208 : i32 to index
        %parallel_loop3A_211 = arith.index_cast %parallel_loop3A_194 : i32 to index
        %parallel_loop3A_212 = tpu.vector_load %arg6[%parallel_loop3A_209, %parallel_loop3A_210, %parallel_loop3A_211] {strides = array<i32>} : memref<2x16x1024xf32, #tpu.memory_space<vmem>>, vector<1x1x16xf32>,
        %parallel_loop3A_213 = vector.shape_cast %parallel_loop3A_212 : vector<1x1x16xf32> to vector<16xf32>
        %parallel_loop3A_214 = vector.shape_cast %parallel_loop3A_207 : vector<16xf32> to vector<1x1x16xf32>
        tpu.vector_store %arg6[%parallel_loop3A_209, %parallel_loop3A_210, %parallel_loop3A_211], %parallel_loop3A_214 {strides = array<i32>} : memref<2x16x1024xf32, #tpu.memory_space<vmem>>, vector<1x1x16xf32>,
      } {sc.loop_unroll_factor = 8 : i64, sc.parallel_access}
      %parallel_loop3A_163 = arith.constant 0 : i32
      %parallel_loop3A_164 = arith.constant 1024 : i32
      %parallel_loop3A_165 = arith.constant 16 : i32
      scf.for %parallel_loop3A_194 = %parallel_loop3A_163 to %parallel_loop3A_164 step %parallel_loop3A_165  : i32 {
        %parallel_loop3A_195 = arith.constant 11 : i32
        %parallel_loop3A_196 = arith.index_cast %rem3A_98 : i32 to index
        %parallel_loop3A_197 = arith.index_cast %parallel_loop3A_195 : i32 to index
        %parallel_loop3A_198 = arith.index_cast %parallel_loop3A_194 : i32 to index
        %parallel_loop3A_199 = tpu.vector_load %arg6[%parallel_loop3A_196, %parallel_loop3A_197, %parallel_loop3A_198] {strides = array<i32>} : memref<2x16x1024xf32, #tpu.memory_space<vmem>>, vector<1x1x16xf32>,
        %parallel_loop3A_200 = vector.shape_cast %parallel_loop3A_199 : vector<1x1x16xf32> to vector<16xf32>
        %parallel_loop3A_201 = arith.constant 11 : i32
        %parallel_loop3A_202 = arith.index_cast %rem3A_98 : i32 to index
        %parallel_loop3A_203 = arith.index_cast %parallel_loop3A_201 : i32 to index
        %parallel_loop3A_204 = arith.index_cast %parallel_loop3A_194 : i32 to index
        %parallel_loop3A_205 = tpu.vector_load %arg5[%parallel_loop3A_202, %parallel_loop3A_203, %parallel_loop3A_204] {strides = array<i32>} : memref<2x16x1024xf32, #tpu.memory_space<vmem>>, vector<1x1x16xf32>,
        %parallel_loop3A_206 = vector.shape_cast %parallel_loop3A_205 : vector<1x1x16xf32> to vector<16xf32>
        %parallel_loop3A_207 = arith.addf %parallel_loop3A_200, %parallel_loop3A_206 : vector<16xf32>
        %parallel_loop3A_208 = arith.constant 11 : i32
        %parallel_loop3A_209 = arith.index_cast %rem3A_98 : i32 to index
        %parallel_loop3A_210 = arith.index_cast %parallel_loop3A_208 : i32 to index
        %parallel_loop3A_211 = arith.index_cast %parallel_loop3A_194 : i32 to index
        %parallel_loop3A_212 = tpu.vector_load %arg6[%parallel_loop3A_209, %parallel_loop3A_210, %parallel_loop3A_211] {strides = array<i32>} : memref<2x16x1024xf32, #tpu.memory_space<vmem>>, vector<1x1x16xf32>,
        %parallel_loop3A_213 = vector.shape_cast %parallel_loop3A_212 : vector<1x1x16xf32> to vector<16xf32>
        %parallel_loop3A_214 = vector.shape_cast %parallel_loop3A_207 : vector<16xf32> to vector<1x1x16xf32>
        tpu.vector_store %arg6[%parallel_loop3A_209, %parallel_loop3A_210, %parallel_loop3A_211], %parallel_loop3A_214 {strides = array<i32>} : memref<2x16x1024xf32, #tpu.memory_space<vmem>>, vector<1x1x16xf32>,
      } {sc.loop_unroll_factor = 8 : i64, sc.parallel_access}
      %parallel_loop3A_166 = arith.constant 0 : i32
      %parallel_loop3A_167 = arith.constant 1024 : i32
      %parallel_loop3A_168 = arith.constant 16 : i32
      scf.for %parallel_loop3A_194 = %parallel_loop3A_166 to %parallel_loop3A_167 step %parallel_loop3A_168  : i32 {
        %parallel_loop3A_195 = arith.constant 12 : i32
        %parallel_loop3A_196 = arith.index_cast %rem3A_98 : i32 to index
        %parallel_loop3A_197 = arith.index_cast %parallel_loop3A_195 : i32 to index
        %parallel_loop3A_198 = arith.index_cast %parallel_loop3A_194 : i32 to index
        %parallel_loop3A_199 = tpu.vector_load %arg6[%parallel_loop3A_196, %parallel_loop3A_197, %parallel_loop3A_198] {strides = array<i32>} : memref<2x16x1024xf32, #tpu.memory_space<vmem>>, vector<1x1x16xf32>,
        %parallel_loop3A_200 = vector.shape_cast %parallel_loop3A_199 : vector<1x1x16xf32> to vector<16xf32>
        %parallel_loop3A_201 = arith.constant 12 : i32
        %parallel_loop3A_202 = arith.index_cast %rem3A_98 : i32 to index
        %parallel_loop3A_203 = arith.index_cast %parallel_loop3A_201 : i32 to index
        %parallel_loop3A_204 = arith.index_cast %parallel_loop3A_194 : i32 to index
        %parallel_loop3A_205 = tpu.vector_load %arg5[%parallel_loop3A_202, %parallel_loop3A_203, %parallel_loop3A_204] {strides = array<i32>} : memref<2x16x1024xf32, #tpu.memory_space<vmem>>, vector<1x1x16xf32>,
        %parallel_loop3A_206 = vector.shape_cast %parallel_loop3A_205 : vector<1x1x16xf32> to vector<16xf32>
        %parallel_loop3A_207 = arith.addf %parallel_loop3A_200, %parallel_loop3A_206 : vector<16xf32>
        %parallel_loop3A_208 = arith.constant 12 : i32
        %parallel_loop3A_209 = arith.index_cast %rem3A_98 : i32 to index
        %parallel_loop3A_210 = arith.index_cast %parallel_loop3A_208 : i32 to index
        %parallel_loop3A_211 = arith.index_cast %parallel_loop3A_194 : i32 to index
        %parallel_loop3A_212 = tpu.vector_load %arg6[%parallel_loop3A_209, %parallel_loop3A_210, %parallel_loop3A_211] {strides = array<i32>} : memref<2x16x1024xf32, #tpu.memory_space<vmem>>, vector<1x1x16xf32>,
        %parallel_loop3A_213 = vector.shape_cast %parallel_loop3A_212 : vector<1x1x16xf32> to vector<16xf32>
        %parallel_loop3A_214 = vector.shape_cast %parallel_loop3A_207 : vector<16xf32> to vector<1x1x16xf32>
        tpu.vector_store %arg6[%parallel_loop3A_209, %parallel_loop3A_210, %parallel_loop3A_211], %parallel_loop3A_214 {strides = array<i32>} : memref<2x16x1024xf32, #tpu.memory_space<vmem>>, vector<1x1x16xf32>,
      } {sc.loop_unroll_factor = 8 : i64, sc.parallel_access}
      %parallel_loop3A_169 = arith.constant 0 : i32
      %parallel_loop3A_170 = arith.constant 1024 : i32
      %parallel_loop3A_171 = arith.constant 16 : i32
      scf.for %parallel_loop3A_194 = %parallel_loop3A_169 to %parallel_loop3A_170 step %parallel_loop3A_171  : i32 {
        %parallel_loop3A_195 = arith.constant 13 : i32
        %parallel_loop3A_196 = arith.index_cast %rem3A_98 : i32 to index
        %parallel_loop3A_197 = arith.index_cast %parallel_loop3A_195 : i32 to index
        %parallel_loop3A_198 = arith.index_cast %parallel_loop3A_194 : i32 to index
        %parallel_loop3A_199 = tpu.vector_load %arg6[%parallel_loop3A_196, %parallel_loop3A_197, %parallel_loop3A_198] {strides = array<i32>} : memref<2x16x1024xf32, #tpu.memory_space<vmem>>, vector<1x1x16xf32>,
        %parallel_loop3A_200 = vector.shape_cast %parallel_loop3A_199 : vector<1x1x16xf32> to vector<16xf32>
        %parallel_loop3A_201 = arith.constant 13 : i32
        %parallel_loop3A_202 = arith.index_cast %rem3A_98 : i32 to index
        %parallel_loop3A_203 = arith.index_cast %parallel_loop3A_201 : i32 to index
        %parallel_loop3A_204 = arith.index_cast %parallel_loop3A_194 : i32 to index
        %parallel_loop3A_205 = tpu.vector_load %arg5[%parallel_loop3A_202, %parallel_loop3A_203, %parallel_loop3A_204] {strides = array<i32>} : memref<2x16x1024xf32, #tpu.memory_space<vmem>>, vector<1x1x16xf32>,
        %parallel_loop3A_206 = vector.shape_cast %parallel_loop3A_205 : vector<1x1x16xf32> to vector<16xf32>
        %parallel_loop3A_207 = arith.addf %parallel_loop3A_200, %parallel_loop3A_206 : vector<16xf32>
        %parallel_loop3A_208 = arith.constant 13 : i32
        %parallel_loop3A_209 = arith.index_cast %rem3A_98 : i32 to index
        %parallel_loop3A_210 = arith.index_cast %parallel_loop3A_208 : i32 to index
        %parallel_loop3A_211 = arith.index_cast %parallel_loop3A_194 : i32 to index
        %parallel_loop3A_212 = tpu.vector_load %arg6[%parallel_loop3A_209, %parallel_loop3A_210, %parallel_loop3A_211] {strides = array<i32>} : memref<2x16x1024xf32, #tpu.memory_space<vmem>>, vector<1x1x16xf32>,
        %parallel_loop3A_213 = vector.shape_cast %parallel_loop3A_212 : vector<1x1x16xf32> to vector<16xf32>
        %parallel_loop3A_214 = vector.shape_cast %parallel_loop3A_207 : vector<16xf32> to vector<1x1x16xf32>
        tpu.vector_store %arg6[%parallel_loop3A_209, %parallel_loop3A_210, %parallel_loop3A_211], %parallel_loop3A_214 {strides = array<i32>} : memref<2x16x1024xf32, #tpu.memory_space<vmem>>, vector<1x1x16xf32>,
      } {sc.loop_unroll_factor = 8 : i64, sc.parallel_access}
      %parallel_loop3A_172 = arith.constant 0 : i32
      %parallel_loop3A_173 = arith.constant 1024 : i32
      %parallel_loop3A_174 = arith.constant 16 : i32
      scf.for %parallel_loop3A_194 = %parallel_loop3A_172 to %parallel_loop3A_173 step %parallel_loop3A_174  : i32 {
        %parallel_loop3A_195 = arith.constant 14 : i32
        %parallel_loop3A_196 = arith.index_cast %rem3A_98 : i32 to index
        %parallel_loop3A_197 = arith.index_cast %parallel_loop3A_195 : i32 to index
        %parallel_loop3A_198 = arith.index_cast %parallel_loop3A_194 : i32 to index
        %parallel_loop3A_199 = tpu.vector_load %arg6[%parallel_loop3A_196, %parallel_loop3A_197, %parallel_loop3A_198] {strides = array<i32>} : memref<2x16x1024xf32, #tpu.memory_space<vmem>>, vector<1x1x16xf32>,
        %parallel_loop3A_200 = vector.shape_cast %parallel_loop3A_199 : vector<1x1x16xf32> to vector<16xf32>
        %parallel_loop3A_201 = arith.constant 14 : i32
        %parallel_loop3A_202 = arith.index_cast %rem3A_98 : i32 to index
        %parallel_loop3A_203 = arith.index_cast %parallel_loop3A_201 : i32 to index
        %parallel_loop3A_204 = arith.index_cast %parallel_loop3A_194 : i32 to index
        %parallel_loop3A_205 = tpu.vector_load %arg5[%parallel_loop3A_202, %parallel_loop3A_203, %parallel_loop3A_204] {strides = array<i32>} : memref<2x16x1024xf32, #tpu.memory_space<vmem>>, vector<1x1x16xf32>,
        %parallel_loop3A_206 = vector.shape_cast %parallel_loop3A_205 : vector<1x1x16xf32> to vector<16xf32>
        %parallel_loop3A_207 = arith.addf %parallel_loop3A_200, %parallel_loop3A_206 : vector<16xf32>
        %parallel_loop3A_208 = arith.constant 14 : i32
        %parallel_loop3A_209 = arith.index_cast %rem3A_98 : i32 to index
        %parallel_loop3A_210 = arith.index_cast %parallel_loop3A_208 : i32 to index
        %parallel_loop3A_211 = arith.index_cast %parallel_loop3A_194 : i32 to index
        %parallel_loop3A_212 = tpu.vector_load %arg6[%parallel_loop3A_209, %parallel_loop3A_210, %parallel_loop3A_211] {strides = array<i32>} : memref<2x16x1024xf32, #tpu.memory_space<vmem>>, vector<1x1x16xf32>,
        %parallel_loop3A_213 = vector.shape_cast %parallel_loop3A_212 : vector<1x1x16xf32> to vector<16xf32>
        %parallel_loop3A_214 = vector.shape_cast %parallel_loop3A_207 : vector<16xf32> to vector<1x1x16xf32>
        tpu.vector_store %arg6[%parallel_loop3A_209, %parallel_loop3A_210, %parallel_loop3A_211], %parallel_loop3A_214 {strides = array<i32>} : memref<2x16x1024xf32, #tpu.memory_space<vmem>>, vector<1x1x16xf32>,
      } {sc.loop_unroll_factor = 8 : i64, sc.parallel_access}
      %parallel_loop3A_175 = arith.constant 0 : i32
      %parallel_loop3A_176 = arith.constant 1024 : i32
      %parallel_loop3A_177 = arith.constant 16 : i32
      scf.for %parallel_loop3A_194 = %parallel_loop3A_175 to %parallel_loop3A_176 step %parallel_loop3A_177  : i32 {
        %parallel_loop3A_195 = arith.constant 15 : i32
        %parallel_loop3A_196 = arith.index_cast %rem3A_98 : i32 to index
        %parallel_loop3A_197 = arith.index_cast %parallel_loop3A_195 : i32 to index
        %parallel_loop3A_198 = arith.index_cast %parallel_loop3A_194 : i32 to index
        %parallel_loop3A_199 = tpu.vector_load %arg6[%parallel_loop3A_196, %parallel_loop3A_197, %parallel_loop3A_198] {strides = array<i32>} : memref<2x16x1024xf32, #tpu.memory_space<vmem>>, vector<1x1x16xf32>,
        %parallel_loop3A_200 = vector.shape_cast %parallel_loop3A_199 : vector<1x1x16xf32> to vector<16xf32>
        %parallel_loop3A_201 = arith.constant 15 : i32
        %parallel_loop3A_202 = arith.index_cast %rem3A_98 : i32 to index
        %parallel_loop3A_203 = arith.index_cast %parallel_loop3A_201 : i32 to index
        %parallel_loop3A_204 = arith.index_cast %parallel_loop3A_194 : i32 to index
        %parallel_loop3A_205 = tpu.vector_load %arg5[%parallel_loop3A_202, %parallel_loop3A_203, %parallel_loop3A_204] {strides = array<i32>} : memref<2x16x1024xf32, #tpu.memory_space<vmem>>, vector<1x1x16xf32>,
        %parallel_loop3A_206 = vector.shape_cast %parallel_loop3A_205 : vector<1x1x16xf32> to vector<16xf32>
        %parallel_loop3A_207 = arith.addf %parallel_loop3A_200, %parallel_loop3A_206 : vector<16xf32>
        %parallel_loop3A_208 = arith.constant 15 : i32
        %parallel_loop3A_209 = arith.index_cast %rem3A_98 : i32 to index
        %parallel_loop3A_210 = arith.index_cast %parallel_loop3A_208 : i32 to index
        %parallel_loop3A_211 = arith.index_cast %parallel_loop3A_194 : i32 to index
        %parallel_loop3A_212 = tpu.vector_load %arg6[%parallel_loop3A_209, %parallel_loop3A_210, %parallel_loop3A_211] {strides = array<i32>} : memref<2x16x1024xf32, #tpu.memory_space<vmem>>, vector<1x1x16xf32>,
        %parallel_loop3A_213 = vector.shape_cast %parallel_loop3A_212 : vector<1x1x16xf32> to vector<16xf32>
        %parallel_loop3A_214 = vector.shape_cast %parallel_loop3A_207 : vector<16xf32> to vector<1x1x16xf32>
        tpu.vector_store %arg6[%parallel_loop3A_209, %parallel_loop3A_210, %parallel_loop3A_211], %parallel_loop3A_214 {strides = array<i32>} : memref<2x16x1024xf32, #tpu.memory_space<vmem>>, vector<1x1x16xf32>,
      } {sc.loop_unroll_factor = 8 : i64, sc.parallel_access}
      %mul3A_178 = arith.constant 16 : i32
      %mul3A_179 = arith.muli %scan3A_95, %mul3A_178 : i32
      %add3A_180 = arith.addi %add3A_30, %mul3A_179 : i32
      %dma_start3A_181 = arith.constant 0 : i32
      %dma_start3A_182 = arith.constant 0 : i32
      %dma_start3A_183 = tpu.memref_slice %arg6[%rem3A_98, %dma_start3A_181, %dma_start3A_182] : memref<2x16x1024xf32, #tpu.memory_space<vmem>> -> memref<1x16x1024xf32, #tpu.memory_space<vmem>>
      %dma_start3A_184 = tpu.memref_squeeze %dma_start3A_183 : memref<1x16x1024xf32, #tpu.memory_space<vmem>> -> memref<16x1024xf32, #tpu.memory_space<vmem>>
      %dma_start3A_185 = arith.constant 0 : i32
      %dma_start3A_186 = tpu.memref_slice %arg4[%add3A_180, %dma_start3A_185] : memref<2048x1024xf32, #tpu.memory_space<hbm>> -> memref<16x1024xf32, #tpu.memory_space<hbm>>
      %dma_start3A_187 = arith.constant 0 : i32
      %dma_start3A_188 = tpu.memref_slice %arg4[%add3A_180, %dma_start3A_187] : memref<2048x1024xf32, #tpu.memory_space<hbm>> -> memref<16x1024xf32, #tpu.memory_space<hbm>>
      %dma_start3A_189 = arith.constant 0 : i32
      %dma_start3A_190 = arith.constant 0 : i32
      %dma_start3A_191 = tpu.memref_slice %arg6[%rem3A_98, %dma_start3A_189, %dma_start3A_190] : memref<2x16x1024xf32, #tpu.memory_space<vmem>> -> memref<1x16x1024xf32, #tpu.memory_space<vmem>>
      %dma_start3A_192 = tpu.memref_squeeze %dma_start3A_191 : memref<1x16x1024xf32, #tpu.memory_space<vmem>> -> memref<16x1024xf32, #tpu.memory_space<vmem>>
      tpu.enqueue_dma source(%dma_start3A_192 : memref<16x1024xf32, #tpu.memory_space<vmem>>) target(%dma_start3A_188 : memref<16x1024xf32, #tpu.memory_space<hbm>>) target_semaphore(%arg8 : memref<!tpu.dma_semaphore, #tpu.memory_space<semaphore_mem>>)
      %scan3A_193 = arith.constant 0 : i32
      scf.yield %scan3A_193 : i32
    }
    %scan3A_65 = arith.constant 4 : i32
    %dma_wait3A = arith.constant 0 : i32
    %dma_wait3A_66 = arith.constant 0 : i32
    %dma_wait3A_67 = arith.constant 0 : i32
    %dma_wait3A_68 = tpu.memref_slice %arg6[%dma_wait3A, %dma_wait3A_66, %dma_wait3A_67] : memref<2x16x1024xf32, #tpu.memory_space<vmem>> -> memref<1x16x1024xf32, #tpu.memory_space<vmem>>
    %dma_wait3A_69 = tpu.memref_squeeze %dma_wait3A_68 : memref<1x16x1024xf32, #tpu.memory_space<vmem>> -> memref<16x1024xf32, #tpu.memory_space<vmem>>
    %dma_wait3A_70 = arith.constant 0 : i32
    %dma_wait3A_71 = arith.constant 0 : i32
    %dma_wait3A_72 = tpu.memref_slice %arg4[%dma_wait3A_70, %dma_wait3A_71] : memref<2048x1024xf32, #tpu.memory_space<hbm>> -> memref<16x1024xf32, #tpu.memory_space<hbm>>
    %dma_wait3A_73 = arith.constant 0 : i32
    %dma_wait3A_74 = arith.constant 0 : i32
    %dma_wait3A_75 = tpu.memref_slice %arg4[%dma_wait3A_73, %dma_wait3A_74] : memref<2048x1024xf32, #tpu.memory_space<hbm>> -> memref<16x1024xf32, #tpu.memory_space<hbm>>
    %dma_wait3A_76 = arith.constant 0 : i32
    %dma_wait3A_77 = arith.constant 0 : i32
    %dma_wait3A_78 = tpu.memref_slice %arg6[%dma_wait3A, %dma_wait3A_76, %dma_wait3A_77] : memref<2x16x1024xf32, #tpu.memory_space<vmem>> -> memref<1x16x1024xf32, #tpu.memory_space<vmem>>
    %dma_wait3A_79 = tpu.memref_squeeze %dma_wait3A_78 : memref<1x16x1024xf32, #tpu.memory_space<vmem>> -> memref<16x1024xf32, #tpu.memory_space<vmem>>
    tpu.wait_dma2 semaphore(%arg8 : memref<!tpu.dma_semaphore, #tpu.memory_space<semaphore_mem>>) src(%dma_wait3A_79 : memref<16x1024xf32, #tpu.memory_space<vmem>>) dst(%dma_wait3A_75 : memref<16x1024xf32, #tpu.memory_space<hbm>>)
    %dma_wait3A_80 = arith.constant 0 : i32
    %dma_wait3A_81 = arith.constant 0 : i32
    %dma_wait3A_82 = arith.constant 0 : i32
    %dma_wait3A_83 = tpu.memref_slice %arg6[%dma_wait3A_80, %dma_wait3A_81, %dma_wait3A_82] : memref<2x16x1024xf32, #tpu.memory_space<vmem>> -> memref<1x16x1024xf32, #tpu.memory_space<vmem>>
    %dma_wait3A_84 = tpu.memref_squeeze %dma_wait3A_83 : memref<1x16x1024xf32, #tpu.memory_space<vmem>> -> memref<16x1024xf32, #tpu.memory_space<vmem>>
    %dma_wait3A_85 = arith.constant 0 : i32
    %dma_wait3A_86 = arith.constant 0 : i32
    %dma_wait3A_87 = tpu.memref_slice %arg4[%dma_wait3A_85, %dma_wait3A_86] : memref<2048x1024xf32, #tpu.memory_space<hbm>> -> memref<16x1024xf32, #tpu.memory_space<hbm>>
    %dma_wait3A_88 = arith.constant 0 : i32
    %dma_wait3A_89 = arith.constant 0 : i32
    %dma_wait3A_90 = tpu.memref_slice %arg4[%dma_wait3A_88, %dma_wait3A_89] : memref<2048x1024xf32, #tpu.memory_space<hbm>> -> memref<16x1024xf32, #tpu.memory_space<hbm>>
    %dma_wait3A_91 = arith.constant 0 : i32
    %dma_wait3A_92 = arith.constant 0 : i32
    %dma_wait3A_93 = tpu.memref_slice %arg6[%dma_wait3A_80, %dma_wait3A_91, %dma_wait3A_92] : memref<2x16x1024xf32, #tpu.memory_space<vmem>> -> memref<1x16x1024xf32, #tpu.memory_space<vmem>>
    %dma_wait3A_94 = tpu.memref_squeeze %dma_wait3A_93 : memref<1x16x1024xf32, #tpu.memory_space<vmem>> -> memref<16x1024xf32, #tpu.memory_space<vmem>>
    tpu.wait_dma2 semaphore(%arg8 : memref<!tpu.dma_semaphore, #tpu.memory_space<semaphore_mem>>) src(%dma_wait3A_94 : memref<16x1024xf32, #tpu.memory_space<vmem>>) dst(%dma_wait3A_90 : memref<16x1024xf32, #tpu.memory_space<hbm>>)
    return
  }
}

module attributes {stable_mosaic.version = 14 : i64} {
  func.func @_tc_body(%arg0: i32, %arg1: i32, %arg2: memref<1x512x1024xf32, #tpu.memory_space<vmem>>, %arg3: memref<512x1024xf32, #tpu.memory_space<vmem>>, %arg4: memref<1x512x1024xf32, #tpu.memory_space<vmem>>) attributes {dimension_semantics = [#tpu.dimension_semantics<arbitrary>, #tpu.dimension_semantics<arbitrary>], iteration_bounds = array<i64: 15, 4>, scalar_prefetch = 0 : i64, scratch_operands = 0 : i64, tpu.core_type = #tpu.core_type<tc>, window_params = [{transform_indices = @transform_0, window_bounds = array<i64: 1, 512, 1024>}, {transform_indices = @transform_1, window_bounds = array<i64: 512, 1024>}, {transform_indices = @transform_2, window_bounds = array<i64: 1, 512, 1024>}]} {
    %get3A = arith.constant 0 : index
    %get3A_0 = arith.constant 0 : index
    %get3A_1 = arith.constant 0 : index
    %get3A_2 = vector.load %arg2[%get3A, %get3A_0, %get3A_1] : memref<1x512x1024xf32, #tpu.memory_space<vmem>>, vector<1x512x1024xf32>
    %get3A_3 = vector.shape_cast %get3A_2 : vector<1x512x1024xf32> to vector<512x1024xf32>
    %get3A_4 = arith.constant 0 : index
    %get3A_5 = arith.constant 0 : index
    %get3A_6 = vector.load %arg3[%get3A_4, %get3A_5] : memref<512x1024xf32, #tpu.memory_space<vmem>>, vector<512x1024xf32>
    %add3A = arith.addf %get3A_3, %get3A_6 : vector<512x1024xf32>
    %swap3A = arith.constant 0 : index
    %swap3A_7 = arith.constant 0 : index
    %swap3A_8 = arith.constant 0 : index
    %swap3A_9 = vector.load %arg4[%swap3A, %swap3A_7, %swap3A_8] : memref<1x512x1024xf32, #tpu.memory_space<vmem>>, vector<1x512x1024xf32>
    %swap3A_10 = vector.shape_cast %swap3A_9 : vector<1x512x1024xf32> to vector<512x1024xf32>
    %swap3A_11 = vector.shape_cast %add3A : vector<512x1024xf32> to vector<1x512x1024xf32>
    tpu.vector_store %arg4[%swap3A, %swap3A_7, %swap3A_8], %swap3A_11 {strides = array<i32>} : memref<1x512x1024xf32, #tpu.memory_space<vmem>>, vector<1x512x1024xf32>,
    return
  }
  func.func @transform_0(%arg0: i32, %arg1: i32) -> (i32, i32, i32) {
    %c0_i32 = arith.constant 0 : i32
    %c0_i32_0 = arith.constant 0 : i32
    return %arg1, %arg0, %c0_i32 : i32, i32, i32
  }
  func.func @transform_1(%arg0: i32, %arg1: i32) -> (i32, i32) {
    %c0_i32 = arith.constant 0 : i32
    %c0_i32_0 = arith.constant 0 : i32
    return %arg0, %c0_i32 : i32, i32
  }
  func.func @transform_2(%arg0: i32, %arg1: i32) -> (i32, i32, i32) {
    %c0_i32 = arith.constant 0 : i32
    %c0_i32_0 = arith.constant 0 : i32
    return %arg1, %arg0, %c0_i32 : i32, i32, i32
  }
}

</mosaic_0001>

<sc_bundles>
// kernel: kernel.4.cloned.1.call-start
scs
__scs_entry_jumppad:
0x0: {  	(pc) =	sbr.rel $0x88, $3  }
0x1: {  	(tag) =	ssettag $0x0;
	lr =	simm.s32 $0x1  }
0x2: {  	[smem:$0x3F9F] =	sst lr;
	_ =	strace $0xD0000000  }
0x3: {  	_ = 	snop  }
0x4: {  	_ = 	snop  }
0x5: {  	_ = 	snop  }
0x6: {  	_ = 	snop  }
0x7: {  	_ = 	snop  }
__scs_overlays_trampoline_lowered:
0x8: {  	[smem:$0x3FAE] =	sst s0  }
0x9: {  	[smem:$0x3FAF] =	sst s1  }
0xa: {  	[smem:$0x3FB0] =	sst s2  }
0xb: {  	[smem:$0x3FB1] =	sst s3  }
0xc: {  	[smem:$0x3FB2] =	sst s4  }
0xd: {  	[smem:$0x3FB3] =	sst s5  }
0xe: {  	[smem:$0x3FB4] =	sst s6  }
0xf: {  	[smem:$0x3FB5] =	sst s7  }
0x10: {  	[smem:$0x3FB6] =	sst s8  }
0x11: {  	[smem:$0x3FB7] =	sst s9;
	s0 =	simm.s32 @!p0 $0x0  }
0x12: {  	s1 =	sld [smem:$0x3F9D];
	s0 =	simm.s32 @p0 $0x1  }
0x13: {  	[smem:$0x3FB8] =	sst s0;
	s0 =	simm.s32 @!p1 $0x0  }
0x14: {  	s2 =	sld [smem:$0x3F9C];
	s0 =	simm.s32 @p1 $0x1  }
0x15: {  	[smem:$0x3FB9] =	sst s0;
	s0 =	simm.s32 @!p2 $0x0  }
0x16: {  	s3 =	sld [smem:$0x3FDB];
	s0 =	simm.s32 @p2 $0x1  }
0x17: {  	s4 =	simm.s32 $0x1BF5;
	[smem:$0x3FBB] =	sst s0  }
0x18: {  	s0 =	sld [smem:$0x3F9E];
	_ =	swait.ge [sflag:s4], $0x0  }
0x19: {  	s7 =	sld [smem:$0x3F9F]  }
0x1a: {  	s8 =	sadd.s32 $0xFFFFE003, lr  }
0x1b: {  	s9 =	sadd.s32 $0xFFFFFEF7, lr;
	s5 =	simm.s32 $0xFFFFFFFF;
	p2 =	slt.u32 s8, $0xFFFFF086  }
0x1c: {  	p1 =	slt.u32 s9, $0xF7A;
	s5 =	simm.s32 @!p2 $0x0  }
0x1d: {  	s5 =	simm.s32 @p1 $0x1;
	p0 =	seq.s32 s7, s2  }
0x1e: {  	s7 =	smul.u32 @!p0 $0xF7A, s2;
	p2 =	seq.s32 @!p0 s5, $0x0  }
0x1f: {  	s9 =	smul.u32 $0xF7A, s1;
	s8 =	simm.s32 @!p0 $0x1BF5;
	p2 =	por !p2, p0  }
0x20: {  	[sflag:s8] =	ssyncset.s32 @!p0 $0xFFFFF086;
	s6 =	sadd.s32 @!p0 s3, s7;
	s7 =	simm.s32 @!p0 $0x108  }
0x21: {  	s3 =	sadd.s32 s3, s9;
	s6 =	sadd.s32 @!p0 $0x88, s6;
	s7 =	simm.s32 @p2 $0x1082  }
0x22: {  	[simem:s7], [sflag:s8] =	dma.local @!p0 [hbm:s6], $0xF7A  }
0x23: {  	s9 =	sor.u32 $0xD0000000, s2;
	s6 =	simm.s32 $0x108;
	_ =	swait.ge @!p0 [sflag:s8], $0x0  }
0x24: {  	s3 =	sadd.s32 $0x88, s3;
	s6 =	simm.s32 @!p1 $0x1082;
	[sflag:s4] =	ssyncset.s32 $0xFFFFF086  }
0x25: {  	[simem:s6], [sflag:s4] =	dma.local [hbm:s3], $0xF7A  }
0x26: {  	[smem:$0x3F9F] =	sst s1;
	(tag) =	ssettag s2;
	_ =	strace s9  }
0x27: {  	s1 =	sld [smem:$0x3FAF]  }
0x28: {  	s2 =	sld [smem:$0x3FB0]  }
0x29: {  	s4 =	sld [smem:$0x3FB2]  }
0x2a: {  	p0 =	seq.s32 s5, $0x0;
	s5 =	sld [smem:$0x3FB3]  }
0x2b: {  	s6 =	sld [smem:$0x3FB4]  }
0x2c: {  	s7 =	sld [smem:$0x3FB5]  }
0x2d: {  	s3 =	simm.s32 $0x108;
	s8 =	sld [smem:$0x3FB6]  }
0x2e: {  	s3 =	simm.s32 @!p0 $0x1082;
	s9 =	sld [smem:$0x3FB7]  }
0x2f: {  	lr =	sadd.s32 s0, s3;
	s0 =	sld [smem:$0x3FAE]  }
0x30: {  	s3 =	sld [smem:$0x3FB1]  }
0x31: {  	[smem:$0x3FBA] =	sst s10  }
0x32: {  	s10 =	sld [smem:$0x3FB8];
	_ =	sdelay $0x3  }
0x33: {  	p0 =	seq.s32 s10, $0x1;
	s10 =	sld [smem:$0x3FBA];
	_ =	sdelay $0x3  }
0x34: {  	[smem:$0x3FBA] =	sst s10  }
0x35: {  	s10 =	sld [smem:$0x3FB9];
	_ =	sdelay $0x3  }
0x36: {  	p1 =	seq.s32 s10, $0x1;
	s10 =	sld [smem:$0x3FBA];
	_ =	sdelay $0x3  }
0x37: {  	[smem:$0x3FBA] =	sst s10  }
0x38: {  	s10 =	sld [smem:$0x3FBB]  }
0x39: {  	_ = 	snop;
	(pc) =	sbr.ind lr, $3  }
0x3a: {  	_ = 	snop  }
0x3b: {  	_ = 	snop  }
0x3c: {  	p2 =	seq.s32 s10, $0x1;
	s10 =	sld [smem:$0x3FBA]  }
0x3d: {  	_ =	shalt  }
0x3e: {  	_ =	shalt  }
0x3f: {  	_ =	shalt  }
0x40: {  	_ =	shalt  }
0x41: {  	_ =	shalt  }
0x42: {  	_ =	shalt  }
0x43: {  	_ =	shalt  }
0x44: {  	_ =	shalt  }
0x45: {  	_ =	shalt  }
0x46: {  	_ =	shalt  }
0x47: {  	_ =	shalt  }
0x48: {  	_ =	shalt  }
0x49: {  	_ =	shalt  }
0x4a: {  	_ =	shalt  }
0x4b: {  	_ =	shalt  }
0x4c: {  	_ =	shalt  }
0x4d: {  	_ =	shalt  }
0x4e: {  	_ =	shalt  }
0x4f: {  	_ =	shalt  }
0x50: {  	_ =	shalt  }
0x51: {  	_ =	shalt  }
0x52: {  	_ =	shalt  }
0x53: {  	_ =	shalt  }
0x54: {  	_ =	shalt  }
0x55: {  	_ =	shalt  }
0x56: {  	_ =	shalt  }
0x57: {  	_ =	shalt  }
0x58: {  	_ =	shalt  }
0x59: {  	_ =	shalt  }
0x5a: {  	_ =	shalt  }
0x5b: {  	_ =	shalt  }
0x5c: {  	_ =	shalt  }
0x5d: {  	_ =	shalt  }
0x5e: {  	_ =	shalt  }
0x5f: {  	_ =	shalt  }
0x60: {  	_ =	shalt  }
0x61: {  	_ =	shalt  }
0x62: {  	_ =	shalt  }
0x63: {  	_ =	shalt  }
0x64: {  	_ =	shalt  }
0x65: {  	_ =	shalt  }
0x66: {  	_ =	shalt  }
0x67: {  	_ =	shalt  }
0x68: {  	_ =	shalt  }
0x69: {  	_ =	shalt  }
0x6a: {  	_ =	shalt  }
0x6b: {  	_ =	shalt  }
0x6c: {  	_ =	shalt  }
0x6d: {  	_ =	shalt  }
0x6e: {  	_ =	shalt  }
0x6f: {  	_ =	shalt  }
0x70: {  	_ =	shalt  }
0x71: {  	_ =	shalt  }
0x72: {  	_ =	shalt  }
0x73: {  	_ =	shalt  }
0x74: {  	_ =	shalt  }
0x75: {  	_ =	shalt  }
0x76: {  	_ =	shalt  }
0x77: {  	_ =	shalt  }
0x78: {  	_ =	shalt  }
0x79: {  	_ =	shalt  }
0x7a: {  	_ =	shalt  }
0x7b: {  	_ =	shalt  }
0x7c: {  	_ =	shalt  }
0x7d: {  	_ =	shalt  }
0x7e: {  	_ =	shalt  }
0x7f: {  	_ =	shalt  }
0x80: {  	_ =	shalt  }
0x81: {  	_ =	shalt  }
0x82: {  	_ =	shalt  }
0x83: {  	_ =	shalt  }
0x84: {  	_ =	shalt  }
0x85: {  	_ =	shalt  }
0x86: {  	_ =	shalt  }
0x87: {  	_ =	shalt  }
.Lfunc_end0:
.L_simem_size_0:
called_computation_lowered:
.L_overlay_start_0:
0x88: {  	s2 =	sld [smem:$0x3FD9]  }
0x89: {  	s3 =	sld [smem:$0x3FFE];
	_ =	sdelay $0x1  }
0x8a: {  	s1 =	srdreg.scid  }
0x8b: {  	s0 =	sand.u32 $0x1, s1  }
0x8c: {  	s17 =	sshll.u32 s0, $0xA;
	s2 =	sadd.s32 s3, s2  }
0x8d: {  	s2 =	sadd.s32 s2, s17  }
0x8e: {  	[smem:$0x3FC6] =	sst s2  }
0x8f: {  	_ = 	snop  }
0x90: {  	s2 =	sld [smem:$0x3FC9]  }
0x91: {  	s18 =	sld [smem:$0x3FC8];
	(tm) =	ssettm $0x1  }
0x92: {  	s4 =	sld [smem:$0x3FFB];
	_ =	sdelay $0x3  }
0x93: {  	_ =	strace s4  }
0x94: {  	s4 =	sld [smem:$0x3FFC];
	_ =	sdelay $0x3  }
0x95: {  	_ =	strace s4  }
0x96: {  	s4 =	sld [smem:$0x3FFD];
	_ =	sdelay $0x3  }
0x97: {  	_ =	strace s4  }
0x98: {  	_ =	strace $0x8FFFFFFF  }
0x99: {  	s19 =	sld [smem:$0x3FDB];
	_ =	sdelay $0x1  }
0x9a: {  	s5 =	simm.s32 $_scs_section_size  }
0x9b: {  	s6 =	simm.s32 $_size__tile_overlayer_lowered;
	s7 =	simm.s32 $_tile_overlayer_lowered  }
0x9c: {  	s22 =	simm.s32 $0x1BFF;
	s21 =	sshll.u32 s7, $0x1;
	s4 =	sadd.s32 s5, s19  }
0x9d: {  	s8 =	simm.s32 $0x0;
	s20 =	sshll.u32 s6, $0x1;
	s6 =	sadd.s32 s21, s4  }
0x9e: {  	[timem:s8], [sflag:s22] =	dma.local [hbm:s6], s20  }
0x9f: {  	_ =	swait.ge [sflag:s22], s20  }
0xa0: {  	s5 =	ssub.s32 $0x0, s20;
	[sflag:s22] =	ssyncset.done $0x0  }
0xa1: {  	[sflag:s22] =	ssyncadd.s32 s5;
	_ =	sdelay $0x1  }
0xa2: {  	s23 =	simm.s32 $0x1B8B  }
0xa3: {  	_ =	swait.ge [sflag:s23], $0x1  }
0xa4: {  	[sflag:s23] =	ssyncset.done $0x0  }
0xa5: {  	s25 =	simm.s32 $0x1B8E;
	s24 =	sld [smem:$0x3FFE];
	[sflag:s23] =	ssyncadd.s32 $0xFFFFFFFF  }
0xa6: {  	s26 =	simm.s32 $execute0_lowered;
	[smem:$0x3FD2] =	sst s25  }
0xa7: {  	s6 =	sshll.u32 s26, $0x1;
	_ =	strace $0x80000046;
	[dreg:$0x1] =	wrdreg $0xFFFFFFFF  }
0xa8: {  	s28 =	simm.s32 $_size_execute0_lowered;
	s4 =	sadd.s32 s4, s6;
	[dreg:$0x0] =	wrdreg $0x0  }
0xa9: {  	s6 =	sshll.u32 s28, $0x1;
	[dreg:$0x2] =	wrdreg s4  }
0xaa: {  	[dreg:$0x3] =	wrdreg s6  }
0xab: {  	[dreg:$0x4] =	wrdreg $0xC0  }
0xac: {  	_ =	task [dreg:s8], $0x5FFFF  }
0xad: {  	[dreg:$0x1] =	wrdreg $0xFFFFFFFF  }
0xae: {  	[dreg:$0x0] =	wrdreg $0x60  }
0xaf: {  	[dreg:$0x2] =	wrdreg s2  }
0xb0: {  	[dreg:$0x3] =	wrdreg s18  }
0xb1: {  	[dreg:$0x4] =	wrdreg s24  }
0xb2: {  	[dreg:$0x5] =	wrdreg $0x9  }
0xb3: {  	_ =	task.clear_ibuf [dreg:s8], $0x6FFFF;
	_ =	strace $0x90000046  }
0xb4: {  	s29 =	simm.s32 $0x9;
	_ =	strace $0x80000048  }
0xb5: {  	_ =	swait.ge [sflag:s29], $0x1  }
0xb6: {  	[sflag:s29] =	ssyncadd.s32 $0xFFFFFFFF  }
0xb7: {  	_ =	strace $0x90000048  }
0xb8: {  	_ =	sfence  }
0xb9: {  	s30 =	sld [smem:$0x0];
	_ =	sdelay $0x2  }
0xba: {  	s31 =	sshll.u32 s1, $0xD;
	s1 =	sshrl.u32 s1, $0x2  }
0xbb: {  	s3 =	sand.u32 $0x4000, s31;
	s1 =	sadd.s32 s1, s30  }
0xbc: {  	s0 =	sor.u32 s3, s0;
	s1 =	sshll.u32 s1, $0x11  }
0xbd: {  	s0 =	sor.u32 s1, s0  }
0xbe: {  	s0 =	sadd.s32 $0x8F2B, s0  }
0xbf: {  	[sflag:s0] =	ssyncadd.remote.s32 $0x1  }
0xc0: {  	_ =	sfence.sel $0xFFFF  }
0xc1: {  	[dreg:$0x0] =	wrdreg $0xFFFFFFFF;
	(pc) =	sbr.abs _section_cstart, $3  }
0xc2: {  	[dreg:$0x1] =	wrdreg $0xFFFFFFFF  }
0xc3: {  	_ =	task.clear_ibuf [dreg:s8], $0x2FFFF;
	_ =	strace $0x9FFFFFFF  }
0xc4: {  	(tm) =	ssettm $0x7FFFFFFF  }
0xc5: {  	_ =	shalt  }
tec
execute0_lowered:
.L_overlay_start_1:
0x0: {  	(tag) =	ssettag $0x1  }
0x1: {  	s7 =	rddreg [dreg:$0x0]  }
0x2: {  	s8 =	rddreg [dreg:$0x1]  }
0x3: {  	s0 =	rddreg [dreg:$0x2];
	s3 =	stileid.u32;
	s4 =	simm.s32 $0x0  }
0x4: {  	s1 =	srdreg.scid;
	s31 =	simm.s32 $0x0;
	s2 =	sshll.u32 s3, $0x1  }
0x5: {  	[smem:$0x7FF] =	sst s4;
	s1 =	sand.u32 $0x1, s1;
	s3 =	sshrl.u32 s3, $0x2  }
0x6: {  	s2 =	sand.u32 $0x6, s2;
	_ =	strace $0x80000047;
	s25 =	sshll.u32 s3, $0x10  }
0x7: {  	s3 =	sshll.u32 s3, $0xD;
	[dreg:$0xa] =	wrdreg s31;
	s2 =	sor.u32 s1, s2  }
0x8: {  	s1 =	ssub.s32 $0x2, s1;
	s0 =	sadd.s32 s25, s0;
	s5 =	sshll.u32 s2, $0x6  }
0x9: {  	s6 =	sshrl.u32 s1, $0x1;
	s2 =	sshll.u32 s2, $0xD;
	s5 =	sor.u32 $0x1E00, s5  }
0xa: {  	s0 =	sadd.s32 s2, s0;
	s26 =	sor.u32 s3, s5;
	[dreg:$0x4] =	wrdreg s5  }
0xb: {  	s1 =	ssub.s32 s1, s6;
	s0 =	sadd.s32 $0x400, s0;
	[dreg:$0x5] =	wrdreg s26  }
0xc: {  	s28 =	sshll.u32 s5, $0x7;
	s30 =	smax.u32 s1, $0x1;
	[dreg:$0x8] =	wrdreg s0  }
0xd: {  	s4 =	sshll.u32 s26, $0x7;
	s3 =	sadd.s32 s8, s28;
	[dreg:$0x9] =	wrdreg s30  }
0xe: {  	[dreg:$0x6] =	wrdreg s3;
	s29 =	sadd.s32 s7, s4  }
0xf: {  	[dreg:$0x7] =	wrdreg s29  }
.LBB2_1:
0x10: {  	s1 =	rddreg [dreg:$0x6]  }
0x11: {  	s0 =	simm.s32 $0x0;
	s31 =	rddreg [dreg:$0x7]  }
0x12: {  	[tilespmem:s0], [sflag:$0x1] =	stream.linear.gather [hbm4b:s1+s0], $0x4000, $0x38;
	[tilespmem:$0x10000] =	vst v63  }
0x13: {  	s2 =	simm.s32 $0x8000;
	p0 =	por $0x0, $0x0;
	s4 =	simm.s32 $0x0  }
0x14: {  	[tilespmem:s2], [sflag:$0x1] =	stream.linear.gather [hbm4b:s31+s0], $0x4000, $0x38;
	[tilespmem:$0x10000] =	vst v63  }
.LBB2_2:
0x15: {  	s1 =	simm.s32 $0x1  }
0x16: {  	p1 =	seq.s32 s4, $0x0;
	_ =	swait.ge [sflag:s1], $0x4000  }
.Ltmp0:
0x17: {  	[sflag:s1] =	ssyncset.done $0x0;
	(pc) =	sbr.rel @p1 .LBB2_5-.Ltmp0, $4  }
0x18: {  	[sflag:s1] =	ssyncadd.s32 $0xFFFFC000  }
0x19: {  	s0 =	simm.s32 $0x1;
	s31 =	sshll.u32 s4, $0xE;
	_ =	swait.ge [sflag:s1], $0x4000  }
0x1a: {  	s5 =	sadd.s32 $0x1, s4;
	s0 =	simm.s32 @!p0 $0x0;
	[sflag:s1] =	ssyncset.done $0x0  }
0x1b: {  	s20 =	sand.u32 $0x4000, s31;
	s16 =	sshll.u32 s0, $0xE;
	[sflag:s1] =	ssyncadd.s32 $0xFFFFC000  }
0x1c: {  	p1 =	seq.s32 s4, $0x3  }
.Ltmp1:
0x1d: {  	_ = 	snop;
	(pc) =	sbr.rel @p1 .LBB2_6-.Ltmp1, $1  }
0x1e: {  	_ =	sdelay $0x3  }
0x1f: {  	s0 =	simm.s32 $0x2  }
0x20: {  	_ =	swait.ge [sflag:s0], $0x4000  }
0x21: {  	[sflag:s0] =	ssyncset.done $0x0  }
0x22: {  	[sflag:s0] =	ssyncadd.s32 $0xFFFFC000  }
.LBB2_5:
0x23: {  	s1 =	rddreg [dreg:$0x4]  }
0x24: {  	s0 =	sshll.u32 s5, $0x4;
	s3 =	rddreg [dreg:$0x1]  }
0x25: {  	s2 =	ssub.s32 $0x4000, s20;
	s29 =	rddreg [dreg:$0x5];
	s1 =	sadd.s32 s1, s0  }
0x26: {  	s28 =	simm.s32 $0x0;
	s0 =	sadd.s32 s29, s0;
	s1 =	sshll.u32 s1, $0x7  }
0x27: {  	s31 =	rddreg [dreg:$0x0];
	s0 =	sshll.u32 s0, $0x7;
	s1 =	sadd.s32 s3, s1  }
0x28: {  	[tilespmem:s2], [sflag:$0x1] =	stream.linear.gather [hbm4b:s1+s28], $0x4000, $0x38;
	[tilespmem:$0x10000] =	vst v63  }
0x29: {  	s30 =	ssub.s32 $0xC000, s20;
	s0 =	sadd.s32 s31, s0  }
0x2a: {  	[tilespmem:s30], [sflag:$0x1] =	stream.linear.gather [hbm4b:s0+s28], $0x4000, $0x38;
	[tilespmem:$0x10000] =	vst v63  }
.LBB2_6:
0x2b: {  	[dreg:$0xc] =	wrdreg s5  }
0x2c: {  	[dreg:$0xb] =	wrdreg s4;
	s15 =	sor.u32 $0x8040, s16  }
0x2d: {  	s17 =	sor.u32 $0x40, s16;
	v1 =	vld [tilespmem:s15+$0x30]  }
0x2e: {  	v2 =	vld [tilespmem:s17+$0x30]  }
0x2f: {  	v0 =	vld [tilespmem:s17+$0xFFFFFFC0]  }
0x30: {  	s0 =	sor.u32 $0xA3F0, s16;
	v3 =	vld [tilespmem:s15+$0xFFFFFFD0]  }
0x31: {  	s25 =	sor.u32 $0xA370, s16;
	v4 =	vld [tilespmem:s17+$0xFFFFFFD0];
	[dreg:$0xd] =	wrdreg s0  }
0x32: {  	s26 =	sor.u32 $0xA2F0, s16;
	[dreg:$0xf] =	wrdreg s25  }
0x33: {  	s18 =	sor.u32 $0x23F0, s16;
	v5 =	vld [tilespmem:s15+$0xFFFFFFE0];
	[dreg:$0x10] =	wrdreg s26  }
0x34: {  	s21 =	sor.u32 $0x2370, s16;
	s23 =	sor.u32 $0x22F0, s16;
	s24 =	sor.u32 $0xA270, s16;
	v6 =	vld [tilespmem:s17+$0xFFFFFFE0]  }
0x35: {  	s28 =	sor.u32 $0x21F0, s16;
	s29 =	sor.u32 $0xA170, s16;
	s30 =	sor.u32 $0x2170, s16;
	v7 =	vld [tilespmem:s15+$0xFFFFFFF0]  }
0x36: {  	s31 =	sor.u32 $0xA0F0, s16;
	s1 =	sor.u32 $0xA070, s16;
	s11 =	sor.u32 $0x2070, s16;
	v8 =	vld [tilespmem:s17+$0xFFFFFFF0]  }
0x37: {  	s7 =	sor.u32 $0x83F0, s16;
	s8 =	sor.u32 $0x3F0, s16;
	s10 =	sor.u32 $0x8370, s16;
	v9 =	vld [tilespmem:s15+$0x0];
	v2 =	vadd.f32 v2, v1  }
0x38: {  	s14 =	sor.u32 $0x370, s16;
	s2 =	sor.u32 $0x82F0, s16;
	s3 =	sor.u32 $0x2F0, s16;
	v10 =	vld [tilespmem:s17+$0x0];
	v3 =	vadd.f32 v4, v3  }
0x39: {  	s13 =	sor.u32 $0x8270, s16;
	s5 =	sor.u32 $0x270, s16;
	s6 =	sor.u32 $0x81F0, s16;
	v1 =	vld [tilespmem:s15+$0x10];
	[tilespmem:s15+$0x30] =	vst v2;
	v4 =	vadd.f32 v6, v5  }
0x3a: {  	s9 =	sor.u32 $0x1F0, s16;
	s4 =	sor.u32 $0x8170, s16;
	s19 =	sor.u32 $0x170, s16;
	v2 =	vld [tilespmem:s17+$0x10];
	[tilespmem:s15+$0xFFFFFFD0] =	vst v3  }
0x3b: {  	s12 =	sor.u32 $0x80F0, s16;
	s20 =	sor.u32 $0x8000, s20;
	s25 =	sor.u32 $0x2270, s16;
	v6 =	vadd.f32 v8, v7;
	v3 =	vld [tilespmem:s15+$0x20];
	[tilespmem:s15+$0xFFFFFFE0] =	vst v4  }
0x3c: {  	s0 =	sor.u32 $0x20F0, s16;
	s22 =	sadd.s32 $0x400, s15;
	v5 =	vld [tilespmem:s17+$0x20];
	[dreg:$0xe] =	wrdreg s20  }
0x3d: {  	s26 =	sor.u32 $0xA1F0, s16;
	s16 =	sor.u32 $0xF0, s16;
	s20 =	simm.s32 $0x0;
	v4 =	vld [tilespmem:s15+$0xFFFFFFC0];
	[tilespmem:s15+$0xFFFFFFF0] =	vst v6;
	v6 =	vadd.f32 v10, v9  }
.LBB2_7:
0x3e: {  	v7 =	vld [tilespmem:s22+$0x30];
	s17 =	sadd.s32 $0x400, s17  }
0x3f: {  	s20 =	sadd.s32 $0x80, s20;
	v8 =	vld [tilespmem:s17+$0x30];
	[tilespmem:s15+$0x0] =	vst v6;
	v1 =	vadd.f32 v2, v1  }
0x40: {  	p1 =	slt.u32 s20, $0x380;
	v2 =	vld [tilespmem:s17+$0xFFFFFFC0]  }
0x41: {  	v6 =	vld [tilespmem:s22+$0xFFFFFFD0];
	[tilespmem:s15+$0x10] =	vst v1;
	v1 =	vadd.f32 v5, v3  }
0x42: {  	v3 =	vld [tilespmem:s17+$0xFFFFFFD0];
	v9 =	vadd.f32 v0, v4  }
0x43: {  	v4 =	vld [tilespmem:s22+$0xFFFFFFE0];
	[tilespmem:s15+$0x20] =	vst v1  }
0x44: {  	v1 =	vld [tilespmem:s17+$0xFFFFFFE0];
	v5 =	vadd.f32 v8, v7;
	[tilespmem:s15+$0xFFFFFFC0] =	vst v9;
	s15 =	smov.u32 s22  }
0x45: {  	v7 =	vld [tilespmem:s22+$0xFFFFFFF0];
	v0 =	vmov v2  }
0x46: {  	v8 =	vld [tilespmem:s17+$0xFFFFFFF0];
	[tilespmem:s22+$0x30] =	vst v5  }
0x47: {  	v2 =	vadd.f32 v3, v6;
	v6 =	vld [tilespmem:s22+$0x0]  }
0x48: {  	v9 =	vld [tilespmem:s17+$0x0]  }
.Ltmp2:
0x49: {  	[tilespmem:s22+$0xFFFFFFD0] =	vst v2;
	v3 =	vadd.f32 v1, v4;
	v1 =	vld [tilespmem:s22+$0x10];
	(pc) =	sbr.rel @p1 .LBB2_7-.Ltmp2, $4  }
0x4a: {  	v2 =	vld [tilespmem:s17+$0x10]  }
0x4b: {  	[tilespmem:s22+$0xFFFFFFE0] =	vst v3;
	v7 =	vadd.f32 v8, v7;
	v3 =	vld [tilespmem:s22+$0x20]  }
0x4c: {  	v5 =	vld [tilespmem:s17+$0x20]  }
0x4d: {  	s22 =	sadd.s32 $0x400, s22;
	v4 =	vld [tilespmem:s15+$0xFFFFFFC0];
	[tilespmem:s15+$0xFFFFFFF0] =	vst v7;
	v6 =	vadd.f32 v9, v6  }
0x4e: {  	_ =	sdelay $0x1  }
0x4f: {  	v1 =	vadd.f32 v2, v1  }
0x50: {  	[tilespmem:s15+$0x0] =	vst v6;
	v2 =	vadd.f32 v5, v3  }
0x51: {  	[tilespmem:s15+$0x10] =	vst v1;
	v0 =	vadd.f32 v0, v4  }
0x52: {  	[tilespmem:s15+$0x20] =	vst v2  }
0x53: {  	[tilespmem:s15+$0xFFFFFFC0] =	vst v0  }
0x54: {  	v1 =	vld [tilespmem:s12+$0x0]  }
0x55: {  	v2 =	vld [tilespmem:s16+$0x0]  }
0x56: {  	v0 =	vld [tilespmem:s16+$0xFFFFFF90]  }
0x57: {  	v3 =	vld [tilespmem:s12+$0xFFFFFFA0]  }
0x58: {  	v4 =	vld [tilespmem:s16+$0xFFFFFFA0]  }
0x59: {  	v5 =	vld [tilespmem:s12+$0xFFFFFFB0]  }
0x5a: {  	v6 =	vld [tilespmem:s16+$0xFFFFFFB0]  }
0x5b: {  	v7 =	vld [tilespmem:s12+$0xFFFFFFC0]  }
0x5c: {  	v8 =	vld [tilespmem:s16+$0xFFFFFFC0]  }
0x5d: {  	v9 =	vld [tilespmem:s12+$0xFFFFFFD0]  }
0x5e: {  	v10 =	vld [tilespmem:s16+$0xFFFFFFD0];
	v2 =	vadd.f32 v2, v1  }
0x5f: {  	v4 =	vadd.f32 v4, v3;
	v1 =	vld [tilespmem:s12+$0xFFFFFFE0]  }
0x60: {  	v5 =	vadd.f32 v6, v5;
	v3 =	vld [tilespmem:s16+$0xFFFFFFE0];
	[tilespmem:s12+$0x0] =	vst v2  }
0x61: {  	v6 =	vadd.f32 v8, v7;
	[tilespmem:s12+$0xFFFFFFA0] =	vst v4;
	v2 =	vld [tilespmem:s12+$0xFFFFFFF0]  }
0x62: {  	[tilespmem:s12+$0xFFFFFFB0] =	vst v5;
	v5 =	vld [tilespmem:s16+$0xFFFFFFF0]  }
0x63: {  	s17 =	sadd.s32 $0x400, s12;
	s15 =	simm.s32 $0x0;
	v4 =	vld [tilespmem:s12+$0xFFFFFF90];
	[tilespmem:s12+$0xFFFFFFC0] =	vst v6;
	v6 =	vadd.f32 v10, v9  }
.LBB2_9:
0x64: {  	v7 =	vld [tilespmem:s17+$0x0];
	s16 =	sadd.s32 $0x400, s16  }
0x65: {  	s15 =	sadd.s32 $0x80, s15;
	v8 =	vld [tilespmem:s16+$0x0];
	[tilespmem:s12+$0xFFFFFFD0] =	vst v6;
	v1 =	vadd.f32 v3, v1  }
0x66: {  	p1 =	slt.u32 s15, $0x380;
	v3 =	vld [tilespmem:s16+$0xFFFFFF90]  }
0x67: {  	v6 =	vld [tilespmem:s17+$0xFFFFFFA0];
	[tilespmem:s12+$0xFFFFFFE0] =	vst v1;
	v1 =	vadd.f32 v5, v2  }
0x68: {  	v2 =	vld [tilespmem:s16+$0xFFFFFFA0];
	v9 =	vadd.f32 v0, v4  }
0x69: {  	v4 =	vld [tilespmem:s17+$0xFFFFFFB0];
	[tilespmem:s12+$0xFFFFFFF0] =	vst v1  }
0x6a: {  	v1 =	vld [tilespmem:s16+$0xFFFFFFB0];
	v5 =	vadd.f32 v8, v7;
	[tilespmem:s12+$0xFFFFFF90] =	vst v9;
	s12 =	smov.u32 s17  }
0x6b: {  	v7 =	vld [tilespmem:s17+$0xFFFFFFC0];
	v0 =	vmov v3  }
0x6c: {  	v8 =	vld [tilespmem:s16+$0xFFFFFFC0];
	[tilespmem:s17+$0x0] =	vst v5  }
0x6d: {  	v2 =	vadd.f32 v2, v6;
	v6 =	vld [tilespmem:s17+$0xFFFFFFD0]  }
0x6e: {  	v9 =	vld [tilespmem:s16+$0xFFFFFFD0]  }
.Ltmp3:
0x6f: {  	[tilespmem:s17+$0xFFFFFFA0] =	vst v2;
	v2 =	vadd.f32 v1, v4;
	v1 =	vld [tilespmem:s17+$0xFFFFFFE0];
	(pc) =	sbr.rel @p1 .LBB2_9-.Ltmp3, $4  }
0x70: {  	v3 =	vld [tilespmem:s16+$0xFFFFFFE0]  }
0x71: {  	[tilespmem:s17+$0xFFFFFFB0] =	vst v2;
	v7 =	vadd.f32 v8, v7;
	v2 =	vld [tilespmem:s17+$0xFFFFFFF0]  }
0x72: {  	v5 =	vld [tilespmem:s16+$0xFFFFFFF0]  }
0x73: {  	s17 =	sadd.s32 $0x400, s17;
	v4 =	vld [tilespmem:s12+$0xFFFFFF90];
	[tilespmem:s12+$0xFFFFFFC0] =	vst v7;
	v6 =	vadd.f32 v9, v6  }
0x74: {  	_ =	sdelay $0x1  }
0x75: {  	v1 =	vadd.f32 v3, v1  }
0x76: {  	[tilespmem:s12+$0xFFFFFFD0] =	vst v6;
	v2 =	vadd.f32 v5, v2  }
0x77: {  	[tilespmem:s12+$0xFFFFFFE0] =	vst v1;
	v0 =	vadd.f32 v0, v4  }
0x78: {  	[tilespmem:s12+$0xFFFFFFF0] =	vst v2  }
0x79: {  	[tilespmem:s12+$0xFFFFFF90] =	vst v0  }
0x7a: {  	v1 =	vld [tilespmem:s4+$0x0]  }
0x7b: {  	v2 =	vld [tilespmem:s19+$0x0]  }
0x7c: {  	v0 =	vld [tilespmem:s19+$0xFFFFFF90]  }
0x7d: {  	v3 =	vld [tilespmem:s4+$0xFFFFFFA0]  }
0x7e: {  	v4 =	vld [tilespmem:s19+$0xFFFFFFA0]  }
0x7f: {  	v5 =	vld [tilespmem:s4+$0xFFFFFFB0]  }
0x80: {  	v6 =	vld [tilespmem:s19+$0xFFFFFFB0]  }
0x81: {  	v7 =	vld [tilespmem:s4+$0xFFFFFFC0]  }
0x82: {  	v8 =	vld [tilespmem:s19+$0xFFFFFFC0]  }
0x83: {  	v9 =	vld [tilespmem:s4+$0xFFFFFFD0]  }
0x84: {  	v10 =	vld [tilespmem:s19+$0xFFFFFFD0];
	v2 =	vadd.f32 v2, v1  }
0x85: {  	v4 =	vadd.f32 v4, v3;
	v1 =	vld [tilespmem:s4+$0xFFFFFFE0]  }
0x86: {  	v5 =	vadd.f32 v6, v5;
	v3 =	vld [tilespmem:s19+$0xFFFFFFE0];
	[tilespmem:s4+$0x0] =	vst v2  }
0x87: {  	v6 =	vadd.f32 v8, v7;
	[tilespmem:s4+$0xFFFFFFA0] =	vst v4;
	v2 =	vld [tilespmem:s4+$0xFFFFFFF0]  }
0x88: {  	[tilespmem:s4+$0xFFFFFFB0] =	vst v5;
	v5 =	vld [tilespmem:s19+$0xFFFFFFF0]  }
0x89: {  	s15 =	sadd.s32 $0x400, s4;
	s12 =	simm.s32 $0x0;
	v4 =	vld [tilespmem:s4+$0xFFFFFF90];
	[tilespmem:s4+$0xFFFFFFC0] =	vst v6;
	v6 =	vadd.f32 v10, v9  }
.LBB2_11:
0x8a: {  	v7 =	vld [tilespmem:s15+$0x0];
	s19 =	sadd.s32 $0x400, s19  }
0x8b: {  	s12 =	sadd.s32 $0x80, s12;
	v8 =	vld [tilespmem:s19+$0x0];
	[tilespmem:s4+$0xFFFFFFD0] =	vst v6;
	v1 =	vadd.f32 v3, v1  }
0x8c: {  	p1 =	slt.u32 s12, $0x380;
	v3 =	vld [tilespmem:s19+$0xFFFFFF90]  }
0x8d: {  	v6 =	vld [tilespmem:s15+$0xFFFFFFA0];
	[tilespmem:s4+$0xFFFFFFE0] =	vst v1;
	v1 =	vadd.f32 v5, v2  }
0x8e: {  	v2 =	vld [tilespmem:s19+$0xFFFFFFA0];
	v9 =	vadd.f32 v0, v4  }
0x8f: {  	v4 =	vld [tilespmem:s15+$0xFFFFFFB0];
	[tilespmem:s4+$0xFFFFFFF0] =	vst v1  }
0x90: {  	v1 =	vld [tilespmem:s19+$0xFFFFFFB0];
	v5 =	vadd.f32 v8, v7;
	[tilespmem:s4+$0xFFFFFF90] =	vst v9;
	s4 =	smov.u32 s15  }
0x91: {  	v7 =	vld [tilespmem:s15+$0xFFFFFFC0];
	v0 =	vmov v3  }
0x92: {  	v8 =	vld [tilespmem:s19+$0xFFFFFFC0];
	[tilespmem:s15+$0x0] =	vst v5  }
0x93: {  	v2 =	vadd.f32 v2, v6;
	v6 =	vld [tilespmem:s15+$0xFFFFFFD0]  }
0x94: {  	v9 =	vld [tilespmem:s19+$0xFFFFFFD0]  }
.Ltmp4:
0x95: {  	[tilespmem:s15+$0xFFFFFFA0] =	vst v2;
	v2 =	vadd.f32 v1, v4;
	v1 =	vld [tilespmem:s15+$0xFFFFFFE0];
	(pc) =	sbr.rel @p1 .LBB2_11-.Ltmp4, $4  }
0x96: {  	v3 =	vld [tilespmem:s19+$0xFFFFFFE0]  }
0x97: {  	[tilespmem:s15+$0xFFFFFFB0] =	vst v2;
	v7 =	vadd.f32 v8, v7;
	v2 =	vld [tilespmem:s15+$0xFFFFFFF0]  }
0x98: {  	v5 =	vld [tilespmem:s19+$0xFFFFFFF0]  }
0x99: {  	s15 =	sadd.s32 $0x400, s15;
	v4 =	vld [tilespmem:s4+$0xFFFFFF90];
	[tilespmem:s4+$0xFFFFFFC0] =	vst v7;
	v6 =	vadd.f32 v9, v6  }
0x9a: {  	_ =	sdelay $0x1  }
0x9b: {  	v1 =	vadd.f32 v3, v1  }
0x9c: {  	[tilespmem:s4+$0xFFFFFFD0] =	vst v6;
	v2 =	vadd.f32 v5, v2  }
0x9d: {  	[tilespmem:s4+$0xFFFFFFE0] =	vst v1;
	v0 =	vadd.f32 v0, v4  }
0x9e: {  	[tilespmem:s4+$0xFFFFFFF0] =	vst v2  }
0x9f: {  	[tilespmem:s4+$0xFFFFFF90] =	vst v0  }
0xa0: {  	v1 =	vld [tilespmem:s6+$0x0]  }
0xa1: {  	v2 =	vld [tilespmem:s9+$0x0]  }
0xa2: {  	v0 =	vld [tilespmem:s9+$0xFFFFFF90]  }
0xa3: {  	v3 =	vld [tilespmem:s6+$0xFFFFFFA0]  }
0xa4: {  	v4 =	vld [tilespmem:s9+$0xFFFFFFA0]  }
0xa5: {  	v5 =	vld [tilespmem:s6+$0xFFFFFFB0]  }
0xa6: {  	v6 =	vld [tilespmem:s9+$0xFFFFFFB0]  }
0xa7: {  	v7 =	vld [tilespmem:s6+$0xFFFFFFC0]  }
0xa8: {  	v8 =	vld [tilespmem:s9+$0xFFFFFFC0]  }
0xa9: {  	v9 =	vld [tilespmem:s6+$0xFFFFFFD0]  }
0xaa: {  	v10 =	vld [tilespmem:s9+$0xFFFFFFD0];
	v2 =	vadd.f32 v2, v1  }
0xab: {  	v4 =	vadd.f32 v4, v3;
	v1 =	vld [tilespmem:s6+$0xFFFFFFE0]  }
0xac: {  	v5 =	vadd.f32 v6, v5;
	v3 =	vld [tilespmem:s9+$0xFFFFFFE0];
	[tilespmem:s6+$0x0] =	vst v2  }
0xad: {  	v6 =	vadd.f32 v8, v7;
	[tilespmem:s6+$0xFFFFFFA0] =	vst v4;
	v2 =	vld [tilespmem:s6+$0xFFFFFFF0]  }
0xae: {  	[tilespmem:s6+$0xFFFFFFB0] =	vst v5;
	v5 =	vld [tilespmem:s9+$0xFFFFFFF0]  }
0xaf: {  	s12 =	sadd.s32 $0x400, s6;
	s4 =	simm.s32 $0x0;
	v4 =	vld [tilespmem:s6+$0xFFFFFF90];
	[tilespmem:s6+$0xFFFFFFC0] =	vst v6;
	v6 =	vadd.f32 v10, v9  }
.LBB2_13:
0xb0: {  	v7 =	vld [tilespmem:s12+$0x0];
	s9 =	sadd.s32 $0x400, s9  }
0xb1: {  	s4 =	sadd.s32 $0x80, s4;
	v8 =	vld [tilespmem:s9+$0x0];
	[tilespmem:s6+$0xFFFFFFD0] =	vst v6;
	v1 =	vadd.f32 v3, v1  }
0xb2: {  	p1 =	slt.u32 s4, $0x380;
	v3 =	vld [tilespmem:s9+$0xFFFFFF90]  }
0xb3: {  	v6 =	vld [tilespmem:s12+$0xFFFFFFA0];
	[tilespmem:s6+$0xFFFFFFE0] =	vst v1;
	v1 =	vadd.f32 v5, v2  }
0xb4: {  	v2 =	vld [tilespmem:s9+$0xFFFFFFA0];
	v9 =	vadd.f32 v0, v4  }
0xb5: {  	v4 =	vld [tilespmem:s12+$0xFFFFFFB0];
	[tilespmem:s6+$0xFFFFFFF0] =	vst v1  }
0xb6: {  	v1 =	vld [tilespmem:s9+$0xFFFFFFB0];
	v5 =	vadd.f32 v8, v7;
	[tilespmem:s6+$0xFFFFFF90] =	vst v9;
	s6 =	smov.u32 s12  }
0xb7: {  	v7 =	vld [tilespmem:s12+$0xFFFFFFC0];
	v0 =	vmov v3  }
0xb8: {  	v8 =	vld [tilespmem:s9+$0xFFFFFFC0];
	[tilespmem:s12+$0x0] =	vst v5  }
0xb9: {  	v2 =	vadd.f32 v2, v6;
	v6 =	vld [tilespmem:s12+$0xFFFFFFD0]  }
0xba: {  	v9 =	vld [tilespmem:s9+$0xFFFFFFD0]  }
.Ltmp5:
0xbb: {  	[tilespmem:s12+$0xFFFFFFA0] =	vst v2;
	v2 =	vadd.f32 v1, v4;
	v1 =	vld [tilespmem:s12+$0xFFFFFFE0];
	(pc) =	sbr.rel @p1 .LBB2_13-.Ltmp5, $4  }
0xbc: {  	v3 =	vld [tilespmem:s9+$0xFFFFFFE0]  }
0xbd: {  	[tilespmem:s12+$0xFFFFFFB0] =	vst v2;
	v7 =	vadd.f32 v8, v7;
	v2 =	vld [tilespmem:s12+$0xFFFFFFF0]  }
0xbe: {  	v5 =	vld [tilespmem:s9+$0xFFFFFFF0]  }
0xbf: {  	s12 =	sadd.s32 $0x400, s12;
	v4 =	vld [tilespmem:s6+$0xFFFFFF90];
	[tilespmem:s6+$0xFFFFFFC0] =	vst v7;
	v6 =	vadd.f32 v9, v6  }
0xc0: {  	_ =	sdelay $0x1  }
0xc1: {  	v1 =	vadd.f32 v3, v1  }
0xc2: {  	[tilespmem:s6+$0xFFFFFFD0] =	vst v6;
	v2 =	vadd.f32 v5, v2  }
0xc3: {  	[tilespmem:s6+$0xFFFFFFE0] =	vst v1;
	v0 =	vadd.f32 v0, v4  }
0xc4: {  	[tilespmem:s6+$0xFFFFFFF0] =	vst v2  }
0xc5: {  	[tilespmem:s6+$0xFFFFFF90] =	vst v0  }
0xc6: {  	v1 =	vld [tilespmem:s13+$0x0]  }
0xc7: {  	v2 =	vld [tilespmem:s5+$0x0]  }
0xc8: {  	v0 =	vld [tilespmem:s5+$0xFFFFFF90]  }
0xc9: {  	v3 =	vld [tilespmem:s13+$0xFFFFFFA0]  }
0xca: {  	v4 =	vld [tilespmem:s5+$0xFFFFFFA0]  }
0xcb: {  	v5 =	vld [tilespmem:s13+$0xFFFFFFB0]  }
0xcc: {  	v6 =	vld [tilespmem:s5+$0xFFFFFFB0]  }
0xcd: {  	v7 =	vld [tilespmem:s13+$0xFFFFFFC0]  }
0xce: {  	v8 =	vld [tilespmem:s5+$0xFFFFFFC0]  }
0xcf: {  	v9 =	vld [tilespmem:s13+$0xFFFFFFD0]  }
0xd0: {  	v10 =	vld [tilespmem:s5+$0xFFFFFFD0];
	v2 =	vadd.f32 v2, v1  }
0xd1: {  	v4 =	vadd.f32 v4, v3;
	v1 =	vld [tilespmem:s13+$0xFFFFFFE0]  }
0xd2: {  	v5 =	vadd.f32 v6, v5;
	v3 =	vld [tilespmem:s5+$0xFFFFFFE0];
	[tilespmem:s13+$0x0] =	vst v2  }
0xd3: {  	v6 =	vadd.f32 v8, v7;
	[tilespmem:s13+$0xFFFFFFA0] =	vst v4;
	v2 =	vld [tilespmem:s13+$0xFFFFFFF0]  }
0xd4: {  	[tilespmem:s13+$0xFFFFFFB0] =	vst v5;
	v5 =	vld [tilespmem:s5+$0xFFFFFFF0]  }
0xd5: {  	s4 =	simm.s32 $0x0;
	s6 =	sadd.s32 $0x400, s13;
	v4 =	vld [tilespmem:s13+$0xFFFFFF90];
	[tilespmem:s13+$0xFFFFFFC0] =	vst v6;
	v6 =	vadd.f32 v10, v9  }
.LBB2_15:
0xd6: {  	v7 =	vld [tilespmem:s6+$0x0];
	s5 =	sadd.s32 $0x400, s5  }
0xd7: {  	s4 =	sadd.s32 $0x80, s4;
	v8 =	vld [tilespmem:s5+$0x0];
	[tilespmem:s13+$0xFFFFFFD0] =	vst v6;
	v1 =	vadd.f32 v3, v1  }
0xd8: {  	p1 =	slt.u32 s4, $0x380;
	v3 =	vld [tilespmem:s5+$0xFFFFFF90]  }
0xd9: {  	v6 =	vld [tilespmem:s6+$0xFFFFFFA0];
	[tilespmem:s13+$0xFFFFFFE0] =	vst v1;
	v1 =	vadd.f32 v5, v2  }
0xda: {  	v2 =	vld [tilespmem:s5+$0xFFFFFFA0];
	v9 =	vadd.f32 v0, v4  }
0xdb: {  	v4 =	vld [tilespmem:s6+$0xFFFFFFB0];
	[tilespmem:s13+$0xFFFFFFF0] =	vst v1  }
0xdc: {  	v1 =	vld [tilespmem:s5+$0xFFFFFFB0];
	v5 =	vadd.f32 v8, v7;
	[tilespmem:s13+$0xFFFFFF90] =	vst v9;
	s13 =	smov.u32 s6  }
0xdd: {  	v7 =	vld [tilespmem:s6+$0xFFFFFFC0];
	v0 =	vmov v3  }
0xde: {  	v8 =	vld [tilespmem:s5+$0xFFFFFFC0];
	[tilespmem:s6+$0x0] =	vst v5  }
0xdf: {  	v2 =	vadd.f32 v2, v6;
	v6 =	vld [tilespmem:s6+$0xFFFFFFD0]  }
0xe0: {  	v9 =	vld [tilespmem:s5+$0xFFFFFFD0]  }
.Ltmp6:
0xe1: {  	[tilespmem:s6+$0xFFFFFFA0] =	vst v2;
	v2 =	vadd.f32 v1, v4;
	v1 =	vld [tilespmem:s6+$0xFFFFFFE0];
	(pc) =	sbr.rel @p1 .LBB2_15-.Ltmp6, $4  }
0xe2: {  	v3 =	vld [tilespmem:s5+$0xFFFFFFE0]  }
0xe3: {  	[tilespmem:s6+$0xFFFFFFB0] =	vst v2;
	v7 =	vadd.f32 v8, v7;
	v2 =	vld [tilespmem:s6+$0xFFFFFFF0]  }
0xe4: {  	v5 =	vld [tilespmem:s5+$0xFFFFFFF0]  }
0xe5: {  	s6 =	sadd.s32 $0x400, s6;
	v4 =	vld [tilespmem:s13+$0xFFFFFF90];
	[tilespmem:s13+$0xFFFFFFC0] =	vst v7;
	v6 =	vadd.f32 v9, v6  }
0xe6: {  	_ =	sdelay $0x1  }
0xe7: {  	v1 =	vadd.f32 v3, v1  }
0xe8: {  	[tilespmem:s13+$0xFFFFFFD0] =	vst v6;
	v2 =	vadd.f32 v5, v2  }
0xe9: {  	[tilespmem:s13+$0xFFFFFFE0] =	vst v1;
	v0 =	vadd.f32 v0, v4  }
0xea: {  	[tilespmem:s13+$0xFFFFFFF0] =	vst v2  }
0xeb: {  	[tilespmem:s13+$0xFFFFFF90] =	vst v0  }
0xec: {  	v1 =	vld [tilespmem:s2+$0x0]  }
0xed: {  	v2 =	vld [tilespmem:s3+$0x0]  }
0xee: {  	v0 =	vld [tilespmem:s3+$0xFFFFFF90]  }
0xef: {  	v3 =	vld [tilespmem:s2+$0xFFFFFFA0]  }
0xf0: {  	v4 =	vld [tilespmem:s3+$0xFFFFFFA0]  }
0xf1: {  	v5 =	vld [tilespmem:s2+$0xFFFFFFB0]  }
0xf2: {  	v6 =	vld [tilespmem:s3+$0xFFFFFFB0]  }
0xf3: {  	v7 =	vld [tilespmem:s2+$0xFFFFFFC0]  }
0xf4: {  	v8 =	vld [tilespmem:s3+$0xFFFFFFC0]  }
0xf5: {  	v9 =	vld [tilespmem:s2+$0xFFFFFFD0]  }
0xf6: {  	v10 =	vld [tilespmem:s3+$0xFFFFFFD0];
	v2 =	vadd.f32 v2, v1  }
0xf7: {  	v4 =	vadd.f32 v4, v3;
	v1 =	vld [tilespmem:s2+$0xFFFFFFE0]  }
0xf8: {  	v5 =	vadd.f32 v6, v5;
	v3 =	vld [tilespmem:s3+$0xFFFFFFE0];
	[tilespmem:s2+$0x0] =	vst v2  }
0xf9: {  	v6 =	vadd.f32 v8, v7;
	[tilespmem:s2+$0xFFFFFFA0] =	vst v4;
	v2 =	vld [tilespmem:s2+$0xFFFFFFF0]  }
0xfa: {  	[tilespmem:s2+$0xFFFFFFB0] =	vst v5;
	v5 =	vld [tilespmem:s3+$0xFFFFFFF0]  }
0xfb: {  	s4 =	simm.s32 $0x0;
	s5 =	sadd.s32 $0x400, s2;
	v4 =	vld [tilespmem:s2+$0xFFFFFF90];
	[tilespmem:s2+$0xFFFFFFC0] =	vst v6;
	v6 =	vadd.f32 v10, v9  }
.LBB2_17:
0xfc: {  	v7 =	vld [tilespmem:s5+$0x0];
	s3 =	sadd.s32 $0x400, s3  }
0xfd: {  	s4 =	sadd.s32 $0x80, s4;
	v8 =	vld [tilespmem:s3+$0x0];
	[tilespmem:s2+$0xFFFFFFD0] =	vst v6;
	v1 =	vadd.f32 v3, v1  }
0xfe: {  	p1 =	slt.u32 s4, $0x380;
	v3 =	vld [tilespmem:s3+$0xFFFFFF90]  }
0xff: {  	v6 =	vld [tilespmem:s5+$0xFFFFFFA0];
	[tilespmem:s2+$0xFFFFFFE0] =	vst v1;
	v1 =	vadd.f32 v5, v2  }
0x100: {  	v2 =	vld [tilespmem:s3+$0xFFFFFFA0];
	v9 =	vadd.f32 v0, v4  }
0x101: {  	v4 =	vld [tilespmem:s5+$0xFFFFFFB0];
	[tilespmem:s2+$0xFFFFFFF0] =	vst v1  }
0x102: {  	v1 =	vld [tilespmem:s3+$0xFFFFFFB0];
	v5 =	vadd.f32 v8, v7;
	[tilespmem:s2+$0xFFFFFF90] =	vst v9;
	s2 =	smov.u32 s5  }
0x103: {  	v7 =	vld [tilespmem:s5+$0xFFFFFFC0];
	v0 =	vmov v3  }
0x104: {  	v8 =	vld [tilespmem:s3+$0xFFFFFFC0];
	[tilespmem:s5+$0x0] =	vst v5  }
0x105: {  	v2 =	vadd.f32 v2, v6;
	v6 =	vld [tilespmem:s5+$0xFFFFFFD0]  }
0x106: {  	v9 =	vld [tilespmem:s3+$0xFFFFFFD0]  }
.Ltmp7:
0x107: {  	[tilespmem:s5+$0xFFFFFFA0] =	vst v2;
	v2 =	vadd.f32 v1, v4;
	v1 =	vld [tilespmem:s5+$0xFFFFFFE0];
	(pc) =	sbr.rel @p1 .LBB2_17-.Ltmp7, $4  }
0x108: {  	v3 =	vld [tilespmem:s3+$0xFFFFFFE0]  }
0x109: {  	[tilespmem:s5+$0xFFFFFFB0] =	vst v2;
	v7 =	vadd.f32 v8, v7;
	v2 =	vld [tilespmem:s5+$0xFFFFFFF0]  }
0x10a: {  	v5 =	vld [tilespmem:s3+$0xFFFFFFF0]  }
0x10b: {  	s5 =	sadd.s32 $0x400, s5;
	v4 =	vld [tilespmem:s2+$0xFFFFFF90];
	[tilespmem:s2+$0xFFFFFFC0] =	vst v7;
	v6 =	vadd.f32 v9, v6  }
0x10c: {  	_ =	sdelay $0x1  }
0x10d: {  	v1 =	vadd.f32 v3, v1  }
0x10e: {  	[tilespmem:s2+$0xFFFFFFD0] =	vst v6;
	v2 =	vadd.f32 v5, v2  }
0x10f: {  	[tilespmem:s2+$0xFFFFFFE0] =	vst v1;
	v0 =	vadd.f32 v0, v4  }
0x110: {  	[tilespmem:s2+$0xFFFFFFF0] =	vst v2  }
0x111: {  	[tilespmem:s2+$0xFFFFFF90] =	vst v0  }
0x112: {  	v1 =	vld [tilespmem:s10+$0x0]  }
0x113: {  	v2 =	vld [tilespmem:s14+$0x0]  }
0x114: {  	v3 =	vld [tilespmem:s10+$0xFFFFFFA0]  }
0x115: {  	v4 =	vld [tilespmem:s14+$0xFFFFFFA0]  }
0x116: {  	v5 =	vld [tilespmem:s10+$0xFFFFFFB0]  }
0x117: {  	v6 =	vld [tilespmem:s14+$0xFFFFFFB0]  }
0x118: {  	v7 =	vld [tilespmem:s10+$0xFFFFFFC0]  }
0x119: {  	v8 =	vld [tilespmem:s14+$0xFFFFFFC0]  }
0x11a: {  	v0 =	vld [tilespmem:s14+$0xFFFFFF90]  }
0x11b: {  	v9 =	vld [tilespmem:s10+$0xFFFFFFD0];
	v2 =	vadd.f32 v2, v1  }
0x11c: {  	v10 =	vld [tilespmem:s14+$0xFFFFFFD0];
	v4 =	vadd.f32 v4, v3  }
0x11d: {  	v1 =	vld [tilespmem:s10+$0xFFFFFFE0];
	v5 =	vadd.f32 v6, v5;
	[tilespmem:s10+$0x0] =	vst v2  }
0x11e: {  	v3 =	vld [tilespmem:s14+$0xFFFFFFE0];
	v6 =	vadd.f32 v8, v7;
	[tilespmem:s10+$0xFFFFFFA0] =	vst v4  }
0x11f: {  	v2 =	vld [tilespmem:s10+$0xFFFFFFF0];
	[tilespmem:s10+$0xFFFFFFB0] =	vst v5  }
0x120: {  	v5 =	vld [tilespmem:s14+$0xFFFFFFF0];
	[tilespmem:s10+$0xFFFFFFC0] =	vst v6  }
0x121: {  	s3 =	sadd.s32 $0x400, s10;
	s2 =	simm.s32 $0x0;
	v4 =	vld [tilespmem:s10+$0xFFFFFF90];
	v6 =	vadd.f32 v10, v9;
	s6 =	rddreg [dreg:$0x10]  }
.LBB2_19:
0x122: {  	v7 =	vld [tilespmem:s3+$0x0];
	s14 =	sadd.s32 $0x400, s14  }
0x123: {  	s2 =	sadd.s32 $0x80, s2;
	v8 =	vld [tilespmem:s14+$0x0];
	[tilespmem:s10+$0xFFFFFFD0] =	vst v6;
	v1 =	vadd.f32 v3, v1  }
0x124: {  	p1 =	slt.u32 s2, $0x380;
	v3 =	vld [tilespmem:s14+$0xFFFFFF90]  }
0x125: {  	v6 =	vld [tilespmem:s3+$0xFFFFFFA0];
	[tilespmem:s10+$0xFFFFFFE0] =	vst v1;
	v1 =	vadd.f32 v5, v2  }
0x126: {  	v2 =	vld [tilespmem:s14+$0xFFFFFFA0];
	v9 =	vadd.f32 v0, v4  }
0x127: {  	v4 =	vld [tilespmem:s3+$0xFFFFFFB0];
	[tilespmem:s10+$0xFFFFFFF0] =	vst v1  }
0x128: {  	v1 =	vld [tilespmem:s14+$0xFFFFFFB0];
	v5 =	vadd.f32 v8, v7;
	[tilespmem:s10+$0xFFFFFF90] =	vst v9;
	s10 =	smov.u32 s3  }
0x129: {  	v7 =	vld [tilespmem:s3+$0xFFFFFFC0];
	v0 =	vmov v3  }
0x12a: {  	v8 =	vld [tilespmem:s14+$0xFFFFFFC0];
	[tilespmem:s3+$0x0] =	vst v5  }
0x12b: {  	v2 =	vadd.f32 v2, v6;
	v6 =	vld [tilespmem:s3+$0xFFFFFFD0]  }
0x12c: {  	v9 =	vld [tilespmem:s14+$0xFFFFFFD0]  }
.Ltmp8:
0x12d: {  	[tilespmem:s3+$0xFFFFFFA0] =	vst v2;
	v2 =	vadd.f32 v1, v4;
	v1 =	vld [tilespmem:s3+$0xFFFFFFE0];
	(pc) =	sbr.rel @p1 .LBB2_19-.Ltmp8, $4  }
0x12e: {  	v3 =	vld [tilespmem:s14+$0xFFFFFFE0]  }
0x12f: {  	[tilespmem:s3+$0xFFFFFFB0] =	vst v2;
	v7 =	vadd.f32 v8, v7;
	v2 =	vld [tilespmem:s3+$0xFFFFFFF0]  }
0x130: {  	v5 =	vld [tilespmem:s14+$0xFFFFFFF0]  }
0x131: {  	s3 =	sadd.s32 $0x400, s3;
	v4 =	vld [tilespmem:s10+$0xFFFFFF90];
	[tilespmem:s10+$0xFFFFFFC0] =	vst v7;
	v6 =	vadd.f32 v9, v6  }
0x132: {  	_ =	sdelay $0x1  }
0x133: {  	v1 =	vadd.f32 v3, v1  }
0x134: {  	[tilespmem:s10+$0xFFFFFFD0] =	vst v6;
	v2 =	vadd.f32 v5, v2  }
0x135: {  	[tilespmem:s10+$0xFFFFFFE0] =	vst v1;
	v0 =	vadd.f32 v0, v4  }
0x136: {  	[tilespmem:s10+$0xFFFFFFF0] =	vst v2  }
0x137: {  	[tilespmem:s10+$0xFFFFFF90] =	vst v0  }
0x138: {  	v1 =	vld [tilespmem:s7+$0x0]  }
0x139: {  	v2 =	vld [tilespmem:s8+$0x0]  }
0x13a: {  	v3 =	vld [tilespmem:s7+$0xFFFFFFA0]  }
0x13b: {  	v4 =	vld [tilespmem:s8+$0xFFFFFFA0]  }
0x13c: {  	v5 =	vld [tilespmem:s7+$0xFFFFFFB0]  }
0x13d: {  	v6 =	vld [tilespmem:s8+$0xFFFFFFB0]  }
0x13e: {  	v7 =	vld [tilespmem:s7+$0xFFFFFFC0]  }
0x13f: {  	v8 =	vld [tilespmem:s8+$0xFFFFFFC0];
	_ =	sdelay $0x1  }
0x140: {  	v0 =	vld [tilespmem:s8+$0xFFFFFF90];
	v2 =	vadd.f32 v2, v1  }
0x141: {  	v9 =	vld [tilespmem:s7+$0xFFFFFFD0];
	v4 =	vadd.f32 v4, v3  }
0x142: {  	v10 =	vld [tilespmem:s8+$0xFFFFFFD0];
	v5 =	vadd.f32 v6, v5;
	[tilespmem:s7+$0x0] =	vst v2  }
0x143: {  	v1 =	vld [tilespmem:s7+$0xFFFFFFE0];
	v6 =	vadd.f32 v8, v7;
	[tilespmem:s7+$0xFFFFFFA0] =	vst v4  }
0x144: {  	v3 =	vld [tilespmem:s8+$0xFFFFFFE0];
	[tilespmem:s7+$0xFFFFFFB0] =	vst v5  }
0x145: {  	v2 =	vld [tilespmem:s7+$0xFFFFFFF0];
	[tilespmem:s7+$0xFFFFFFC0] =	vst v6  }
0x146: {  	v5 =	vld [tilespmem:s8+$0xFFFFFFF0];
	s4 =	rddreg [dreg:$0xb]  }
0x147: {  	s2 =	simm.s32 $0x0;
	s3 =	sadd.s32 $0x400, s7;
	v4 =	vld [tilespmem:s7+$0xFFFFFF90];
	v6 =	vadd.f32 v10, v9;
	s5 =	rddreg [dreg:$0xc]  }
.LBB2_21:
0x148: {  	v7 =	vld [tilespmem:s3+$0x0];
	s8 =	sadd.s32 $0x400, s8  }
0x149: {  	s2 =	sadd.s32 $0x80, s2;
	v8 =	vld [tilespmem:s8+$0x0];
	[tilespmem:s7+$0xFFFFFFD0] =	vst v6;
	v1 =	vadd.f32 v3, v1  }
0x14a: {  	p1 =	slt.u32 s2, $0x380;
	v3 =	vld [tilespmem:s8+$0xFFFFFF90]  }
0x14b: {  	v6 =	vld [tilespmem:s3+$0xFFFFFFA0];
	[tilespmem:s7+$0xFFFFFFE0] =	vst v1;
	v1 =	vadd.f32 v5, v2  }
0x14c: {  	v2 =	vld [tilespmem:s8+$0xFFFFFFA0];
	v9 =	vadd.f32 v0, v4  }
0x14d: {  	v4 =	vld [tilespmem:s3+$0xFFFFFFB0];
	[tilespmem:s7+$0xFFFFFFF0] =	vst v1  }
0x14e: {  	v1 =	vld [tilespmem:s8+$0xFFFFFFB0];
	v5 =	vadd.f32 v8, v7;
	[tilespmem:s7+$0xFFFFFF90] =	vst v9;
	s7 =	smov.u32 s3  }
0x14f: {  	v7 =	vld [tilespmem:s3+$0xFFFFFFC0];
	v0 =	vmov v3  }
0x150: {  	v8 =	vld [tilespmem:s8+$0xFFFFFFC0];
	[tilespmem:s3+$0x0] =	vst v5  }
0x151: {  	v2 =	vadd.f32 v2, v6;
	v6 =	vld [tilespmem:s3+$0xFFFFFFD0]  }
0x152: {  	v9 =	vld [tilespmem:s8+$0xFFFFFFD0]  }
.Ltmp9:
0x153: {  	[tilespmem:s3+$0xFFFFFFA0] =	vst v2;
	v2 =	vadd.f32 v1, v4;
	v1 =	vld [tilespmem:s3+$0xFFFFFFE0];
	(pc) =	sbr.rel @p1 .LBB2_21-.Ltmp9, $4  }
0x154: {  	v3 =	vld [tilespmem:s8+$0xFFFFFFE0]  }
0x155: {  	[tilespmem:s3+$0xFFFFFFB0] =	vst v2;
	v7 =	vadd.f32 v8, v7;
	v2 =	vld [tilespmem:s3+$0xFFFFFFF0]  }
0x156: {  	v5 =	vld [tilespmem:s8+$0xFFFFFFF0]  }
0x157: {  	s3 =	sadd.s32 $0x400, s3;
	v4 =	vld [tilespmem:s7+$0xFFFFFF90];
	[tilespmem:s7+$0xFFFFFFC0] =	vst v7;
	v6 =	vadd.f32 v9, v6  }
0x158: {  	_ =	sdelay $0x1  }
0x159: {  	v1 =	vadd.f32 v3, v1  }
0x15a: {  	[tilespmem:s7+$0xFFFFFFD0] =	vst v6;
	v2 =	vadd.f32 v5, v2  }
0x15b: {  	[tilespmem:s7+$0xFFFFFFE0] =	vst v1;
	v0 =	vadd.f32 v0, v4  }
0x15c: {  	[tilespmem:s7+$0xFFFFFFF0] =	vst v2  }
0x15d: {  	[tilespmem:s7+$0xFFFFFF90] =	vst v0  }
0x15e: {  	v1 =	vld [tilespmem:s1+$0x0]  }
0x15f: {  	v2 =	vld [tilespmem:s11+$0x0]  }
0x160: {  	v0 =	vld [tilespmem:s11+$0xFFFFFF90]  }
0x161: {  	v3 =	vld [tilespmem:s1+$0xFFFFFFA0]  }
0x162: {  	v4 =	vld [tilespmem:s11+$0xFFFFFFA0]  }
0x163: {  	v5 =	vld [tilespmem:s1+$0xFFFFFFB0]  }
0x164: {  	v6 =	vld [tilespmem:s11+$0xFFFFFFB0]  }
0x165: {  	v7 =	vld [tilespmem:s1+$0xFFFFFFC0]  }
0x166: {  	v8 =	vld [tilespmem:s11+$0xFFFFFFC0]  }
0x167: {  	v9 =	vld [tilespmem:s1+$0xFFFFFFD0]  }
0x168: {  	v10 =	vld [tilespmem:s11+$0xFFFFFFD0];
	v2 =	vadd.f32 v2, v1  }
0x169: {  	v4 =	vadd.f32 v4, v3;
	v1 =	vld [tilespmem:s1+$0xFFFFFFE0]  }
0x16a: {  	v5 =	vadd.f32 v6, v5;
	v3 =	vld [tilespmem:s11+$0xFFFFFFE0];
	[tilespmem:s1+$0x0] =	vst v2  }
0x16b: {  	v6 =	vadd.f32 v8, v7;
	[tilespmem:s1+$0xFFFFFFA0] =	vst v4;
	v2 =	vld [tilespmem:s1+$0xFFFFFFF0]  }
0x16c: {  	[tilespmem:s1+$0xFFFFFFB0] =	vst v5;
	v5 =	vld [tilespmem:s11+$0xFFFFFFF0]  }
0x16d: {  	s2 =	simm.s32 $0x0;
	s3 =	sadd.s32 $0x400, s1;
	v4 =	vld [tilespmem:s1+$0xFFFFFF90];
	[tilespmem:s1+$0xFFFFFFC0] =	vst v6;
	v6 =	vadd.f32 v10, v9  }
.LBB2_23:
0x16e: {  	v7 =	vld [tilespmem:s3+$0x0];
	s11 =	sadd.s32 $0x400, s11  }
0x16f: {  	s2 =	sadd.s32 $0x80, s2;
	v8 =	vld [tilespmem:s11+$0x0];
	[tilespmem:s1+$0xFFFFFFD0] =	vst v6;
	v1 =	vadd.f32 v3, v1  }
0x170: {  	p1 =	slt.u32 s2, $0x380;
	v3 =	vld [tilespmem:s11+$0xFFFFFF90]  }
0x171: {  	v6 =	vld [tilespmem:s3+$0xFFFFFFA0];
	[tilespmem:s1+$0xFFFFFFE0] =	vst v1;
	v1 =	vadd.f32 v5, v2  }
0x172: {  	v2 =	vld [tilespmem:s11+$0xFFFFFFA0];
	v9 =	vadd.f32 v0, v4  }
0x173: {  	v4 =	vld [tilespmem:s3+$0xFFFFFFB0];
	[tilespmem:s1+$0xFFFFFFF0] =	vst v1  }
0x174: {  	v1 =	vld [tilespmem:s11+$0xFFFFFFB0];
	v5 =	vadd.f32 v8, v7;
	[tilespmem:s1+$0xFFFFFF90] =	vst v9;
	s1 =	smov.u32 s3  }
0x175: {  	v7 =	vld [tilespmem:s3+$0xFFFFFFC0];
	v0 =	vmov v3  }
0x176: {  	v8 =	vld [tilespmem:s11+$0xFFFFFFC0];
	[tilespmem:s3+$0x0] =	vst v5  }
0x177: {  	v2 =	vadd.f32 v2, v6;
	v6 =	vld [tilespmem:s3+$0xFFFFFFD0]  }
0x178: {  	v9 =	vld [tilespmem:s11+$0xFFFFFFD0]  }
.Ltmp10:
0x179: {  	[tilespmem:s3+$0xFFFFFFA0] =	vst v2;
	v2 =	vadd.f32 v1, v4;
	v1 =	vld [tilespmem:s3+$0xFFFFFFE0];
	(pc) =	sbr.rel @p1 .LBB2_23-.Ltmp10, $4  }
0x17a: {  	v3 =	vld [tilespmem:s11+$0xFFFFFFE0]  }
0x17b: {  	[tilespmem:s3+$0xFFFFFFB0] =	vst v2;
	v7 =	vadd.f32 v8, v7;
	v2 =	vld [tilespmem:s3+$0xFFFFFFF0]  }
0x17c: {  	v5 =	vld [tilespmem:s11+$0xFFFFFFF0]  }
0x17d: {  	s3 =	sadd.s32 $0x400, s3;
	v4 =	vld [tilespmem:s1+$0xFFFFFF90];
	[tilespmem:s1+$0xFFFFFFC0] =	vst v7;
	v6 =	vadd.f32 v9, v6  }
0x17e: {  	_ =	sdelay $0x1  }
0x17f: {  	v1 =	vadd.f32 v3, v1  }
0x180: {  	[tilespmem:s1+$0xFFFFFFD0] =	vst v6;
	v2 =	vadd.f32 v5, v2  }
0x181: {  	[tilespmem:s1+$0xFFFFFFE0] =	vst v1;
	v0 =	vadd.f32 v0, v4  }
0x182: {  	[tilespmem:s1+$0xFFFFFFF0] =	vst v2  }
0x183: {  	[tilespmem:s1+$0xFFFFFF90] =	vst v0  }
0x184: {  	v1 =	vld [tilespmem:s31+$0x0]  }
0x185: {  	v2 =	vld [tilespmem:s0+$0x0]  }
0x186: {  	v0 =	vld [tilespmem:s0+$0xFFFFFF90]  }
0x187: {  	v3 =	vld [tilespmem:s31+$0xFFFFFFA0]  }
0x188: {  	v4 =	vld [tilespmem:s0+$0xFFFFFFA0]  }
0x189: {  	v5 =	vld [tilespmem:s31+$0xFFFFFFB0]  }
0x18a: {  	v6 =	vld [tilespmem:s0+$0xFFFFFFB0]  }
0x18b: {  	v7 =	vld [tilespmem:s31+$0xFFFFFFC0]  }
0x18c: {  	v8 =	vld [tilespmem:s0+$0xFFFFFFC0]  }
0x18d: {  	v9 =	vld [tilespmem:s31+$0xFFFFFFD0]  }
0x18e: {  	v10 =	vld [tilespmem:s0+$0xFFFFFFD0];
	v2 =	vadd.f32 v2, v1  }
0x18f: {  	v4 =	vadd.f32 v4, v3;
	v1 =	vld [tilespmem:s31+$0xFFFFFFE0]  }
0x190: {  	v5 =	vadd.f32 v6, v5;
	v3 =	vld [tilespmem:s0+$0xFFFFFFE0];
	[tilespmem:s31+$0x0] =	vst v2  }
0x191: {  	v6 =	vadd.f32 v8, v7;
	[tilespmem:s31+$0xFFFFFFA0] =	vst v4;
	v2 =	vld [tilespmem:s31+$0xFFFFFFF0]  }
0x192: {  	[tilespmem:s31+$0xFFFFFFB0] =	vst v5;
	v5 =	vld [tilespmem:s0+$0xFFFFFFF0]  }
0x193: {  	s2 =	sadd.s32 $0x400, s31;
	s1 =	simm.s32 $0x0;
	v4 =	vld [tilespmem:s31+$0xFFFFFF90];
	[tilespmem:s31+$0xFFFFFFC0] =	vst v6;
	v6 =	vadd.f32 v10, v9  }
.LBB2_25:
0x194: {  	v7 =	vld [tilespmem:s2+$0x0];
	s0 =	sadd.s32 $0x400, s0  }
0x195: {  	s1 =	sadd.s32 $0x80, s1;
	v8 =	vld [tilespmem:s0+$0x0];
	[tilespmem:s31+$0xFFFFFFD0] =	vst v6;
	v1 =	vadd.f32 v3, v1  }
0x196: {  	p1 =	slt.u32 s1, $0x380;
	v3 =	vld [tilespmem:s0+$0xFFFFFF90]  }
0x197: {  	v6 =	vld [tilespmem:s2+$0xFFFFFFA0];
	[tilespmem:s31+$0xFFFFFFE0] =	vst v1;
	v1 =	vadd.f32 v5, v2  }
0x198: {  	v2 =	vld [tilespmem:s0+$0xFFFFFFA0];
	v9 =	vadd.f32 v0, v4  }
0x199: {  	v4 =	vld [tilespmem:s2+$0xFFFFFFB0];
	[tilespmem:s31+$0xFFFFFFF0] =	vst v1  }
0x19a: {  	v1 =	vld [tilespmem:s0+$0xFFFFFFB0];
	v5 =	vadd.f32 v8, v7;
	[tilespmem:s31+$0xFFFFFF90] =	vst v9;
	s31 =	smov.u32 s2  }
0x19b: {  	v7 =	vld [tilespmem:s2+$0xFFFFFFC0];
	v0 =	vmov v3  }
0x19c: {  	v8 =	vld [tilespmem:s0+$0xFFFFFFC0];
	[tilespmem:s2+$0x0] =	vst v5  }
0x19d: {  	v2 =	vadd.f32 v2, v6;
	v6 =	vld [tilespmem:s2+$0xFFFFFFD0]  }
0x19e: {  	v9 =	vld [tilespmem:s0+$0xFFFFFFD0]  }
.Ltmp11:
0x19f: {  	[tilespmem:s2+$0xFFFFFFA0] =	vst v2;
	v2 =	vadd.f32 v1, v4;
	v1 =	vld [tilespmem:s2+$0xFFFFFFE0];
	(pc) =	sbr.rel @p1 .LBB2_25-.Ltmp11, $4  }
0x1a0: {  	v3 =	vld [tilespmem:s0+$0xFFFFFFE0]  }
0x1a1: {  	[tilespmem:s2+$0xFFFFFFB0] =	vst v2;
	v7 =	vadd.f32 v8, v7;
	v2 =	vld [tilespmem:s2+$0xFFFFFFF0]  }
0x1a2: {  	v5 =	vld [tilespmem:s0+$0xFFFFFFF0]  }
0x1a3: {  	s2 =	sadd.s32 $0x400, s2;
	v4 =	vld [tilespmem:s31+$0xFFFFFF90];
	[tilespmem:s31+$0xFFFFFFC0] =	vst v7;
	v6 =	vadd.f32 v9, v6  }
0x1a4: {  	_ =	sdelay $0x1  }
0x1a5: {  	v1 =	vadd.f32 v3, v1  }
0x1a6: {  	[tilespmem:s31+$0xFFFFFFD0] =	vst v6;
	v2 =	vadd.f32 v5, v2  }
0x1a7: {  	[tilespmem:s31+$0xFFFFFFE0] =	vst v1;
	v0 =	vadd.f32 v0, v4  }
0x1a8: {  	[tilespmem:s31+$0xFFFFFFF0] =	vst v2  }
0x1a9: {  	[tilespmem:s31+$0xFFFFFF90] =	vst v0  }
0x1aa: {  	v1 =	vld [tilespmem:s29+$0x0]  }
0x1ab: {  	v2 =	vld [tilespmem:s30+$0x0]  }
0x1ac: {  	v3 =	vld [tilespmem:s29+$0xFFFFFFA0]  }
0x1ad: {  	v4 =	vld [tilespmem:s30+$0xFFFFFFA0]  }
0x1ae: {  	v5 =	vld [tilespmem:s29+$0xFFFFFFB0]  }
0x1af: {  	v6 =	vld [tilespmem:s30+$0xFFFFFFB0]  }
0x1b0: {  	v7 =	vld [tilespmem:s29+$0xFFFFFFC0]  }
0x1b1: {  	v8 =	vld [tilespmem:s30+$0xFFFFFFC0]  }
0x1b2: {  	v0 =	vld [tilespmem:s30+$0xFFFFFF90]  }
0x1b3: {  	v9 =	vld [tilespmem:s29+$0xFFFFFFD0];
	v2 =	vadd.f32 v2, v1  }
0x1b4: {  	v10 =	vld [tilespmem:s30+$0xFFFFFFD0];
	v4 =	vadd.f32 v4, v3  }
0x1b5: {  	v1 =	vld [tilespmem:s29+$0xFFFFFFE0];
	v5 =	vadd.f32 v6, v5;
	[tilespmem:s29+$0x0] =	vst v2  }
0x1b6: {  	v3 =	vld [tilespmem:s30+$0xFFFFFFE0];
	v6 =	vadd.f32 v8, v7;
	[tilespmem:s29+$0xFFFFFFA0] =	vst v4  }
0x1b7: {  	v2 =	vld [tilespmem:s29+$0xFFFFFFF0];
	[tilespmem:s29+$0xFFFFFFB0] =	vst v5  }
0x1b8: {  	v5 =	vld [tilespmem:s30+$0xFFFFFFF0];
	[tilespmem:s29+$0xFFFFFFC0] =	vst v6  }
0x1b9: {  	s0 =	simm.s32 $0x0;
	s1 =	sadd.s32 $0x400, s29;
	v4 =	vld [tilespmem:s29+$0xFFFFFF90];
	v6 =	vadd.f32 v10, v9;
	s3 =	rddreg [dreg:$0xf]  }
.LBB2_27:
0x1ba: {  	v7 =	vld [tilespmem:s1+$0x0];
	s30 =	sadd.s32 $0x400, s30  }
0x1bb: {  	s0 =	sadd.s32 $0x80, s0;
	v8 =	vld [tilespmem:s30+$0x0];
	[tilespmem:s29+$0xFFFFFFD0] =	vst v6;
	v1 =	vadd.f32 v3, v1  }
0x1bc: {  	p1 =	slt.u32 s0, $0x380;
	v3 =	vld [tilespmem:s30+$0xFFFFFF90]  }
0x1bd: {  	v6 =	vld [tilespmem:s1+$0xFFFFFFA0];
	[tilespmem:s29+$0xFFFFFFE0] =	vst v1;
	v1 =	vadd.f32 v5, v2  }
0x1be: {  	v2 =	vld [tilespmem:s30+$0xFFFFFFA0];
	v9 =	vadd.f32 v0, v4  }
0x1bf: {  	v4 =	vld [tilespmem:s1+$0xFFFFFFB0];
	[tilespmem:s29+$0xFFFFFFF0] =	vst v1  }
0x1c0: {  	v1 =	vld [tilespmem:s30+$0xFFFFFFB0];
	v5 =	vadd.f32 v8, v7;
	[tilespmem:s29+$0xFFFFFF90] =	vst v9;
	s29 =	smov.u32 s1  }
0x1c1: {  	v7 =	vld [tilespmem:s1+$0xFFFFFFC0];
	v0 =	vmov v3  }
0x1c2: {  	v8 =	vld [tilespmem:s30+$0xFFFFFFC0];
	[tilespmem:s1+$0x0] =	vst v5  }
0x1c3: {  	v2 =	vadd.f32 v2, v6;
	v6 =	vld [tilespmem:s1+$0xFFFFFFD0]  }
0x1c4: {  	v9 =	vld [tilespmem:s30+$0xFFFFFFD0]  }
.Ltmp12:
0x1c5: {  	[tilespmem:s1+$0xFFFFFFA0] =	vst v2;
	v2 =	vadd.f32 v1, v4;
	v1 =	vld [tilespmem:s1+$0xFFFFFFE0];
	(pc) =	sbr.rel @p1 .LBB2_27-.Ltmp12, $4  }
0x1c6: {  	v3 =	vld [tilespmem:s30+$0xFFFFFFE0]  }
0x1c7: {  	[tilespmem:s1+$0xFFFFFFB0] =	vst v2;
	v7 =	vadd.f32 v8, v7;
	v2 =	vld [tilespmem:s1+$0xFFFFFFF0]  }
0x1c8: {  	v5 =	vld [tilespmem:s30+$0xFFFFFFF0]  }
0x1c9: {  	s1 =	sadd.s32 $0x400, s1;
	v4 =	vld [tilespmem:s29+$0xFFFFFF90];
	[tilespmem:s29+$0xFFFFFFC0] =	vst v7;
	v6 =	vadd.f32 v9, v6  }
0x1ca: {  	_ =	sdelay $0x1  }
0x1cb: {  	v1 =	vadd.f32 v3, v1  }
0x1cc: {  	[tilespmem:s29+$0xFFFFFFD0] =	vst v6;
	v2 =	vadd.f32 v5, v2  }
0x1cd: {  	[tilespmem:s29+$0xFFFFFFE0] =	vst v1;
	v0 =	vadd.f32 v0, v4  }
0x1ce: {  	[tilespmem:s29+$0xFFFFFFF0] =	vst v2  }
0x1cf: {  	[tilespmem:s29+$0xFFFFFF90] =	vst v0  }
0x1d0: {  	v1 =	vld [tilespmem:s26+$0x0]  }
0x1d1: {  	v2 =	vld [tilespmem:s28+$0x0]  }
0x1d2: {  	v3 =	vld [tilespmem:s26+$0xFFFFFFA0]  }
0x1d3: {  	v4 =	vld [tilespmem:s28+$0xFFFFFFA0]  }
0x1d4: {  	v5 =	vld [tilespmem:s26+$0xFFFFFFB0]  }
0x1d5: {  	v6 =	vld [tilespmem:s28+$0xFFFFFFB0]  }
0x1d6: {  	v7 =	vld [tilespmem:s26+$0xFFFFFFC0]  }
0x1d7: {  	v8 =	vld [tilespmem:s28+$0xFFFFFFC0]  }
0x1d8: {  	v0 =	vld [tilespmem:s28+$0xFFFFFF90]  }
0x1d9: {  	v9 =	vld [tilespmem:s26+$0xFFFFFFD0];
	v2 =	vadd.f32 v2, v1  }
0x1da: {  	v10 =	vld [tilespmem:s28+$0xFFFFFFD0];
	v4 =	vadd.f32 v4, v3  }
0x1db: {  	v1 =	vld [tilespmem:s26+$0xFFFFFFE0];
	v5 =	vadd.f32 v6, v5;
	[tilespmem:s26+$0x0] =	vst v2  }
0x1dc: {  	v3 =	vld [tilespmem:s28+$0xFFFFFFE0];
	v6 =	vadd.f32 v8, v7;
	[tilespmem:s26+$0xFFFFFFA0] =	vst v4  }
0x1dd: {  	v2 =	vld [tilespmem:s26+$0xFFFFFFF0];
	[tilespmem:s26+$0xFFFFFFB0] =	vst v5  }
0x1de: {  	v5 =	vld [tilespmem:s28+$0xFFFFFFF0];
	[tilespmem:s26+$0xFFFFFFC0] =	vst v6  }
0x1df: {  	s0 =	simm.s32 $0x0;
	s1 =	sadd.s32 $0x400, s26;
	v4 =	vld [tilespmem:s26+$0xFFFFFF90];
	v6 =	vadd.f32 v10, v9;
	s2 =	rddreg [dreg:$0xd]  }
.LBB2_29:
0x1e0: {  	v7 =	vld [tilespmem:s1+$0x0];
	s28 =	sadd.s32 $0x400, s28  }
0x1e1: {  	s0 =	sadd.s32 $0x80, s0;
	v8 =	vld [tilespmem:s28+$0x0];
	[tilespmem:s26+$0xFFFFFFD0] =	vst v6;
	v1 =	vadd.f32 v3, v1  }
0x1e2: {  	p1 =	slt.u32 s0, $0x380;
	v3 =	vld [tilespmem:s28+$0xFFFFFF90]  }
0x1e3: {  	v6 =	vld [tilespmem:s1+$0xFFFFFFA0];
	[tilespmem:s26+$0xFFFFFFE0] =	vst v1;
	v1 =	vadd.f32 v5, v2  }
0x1e4: {  	v2 =	vld [tilespmem:s28+$0xFFFFFFA0];
	v9 =	vadd.f32 v0, v4  }
0x1e5: {  	v4 =	vld [tilespmem:s1+$0xFFFFFFB0];
	[tilespmem:s26+$0xFFFFFFF0] =	vst v1  }
0x1e6: {  	v1 =	vld [tilespmem:s28+$0xFFFFFFB0];
	v5 =	vadd.f32 v8, v7;
	[tilespmem:s26+$0xFFFFFF90] =	vst v9;
	s26 =	smov.u32 s1  }
0x1e7: {  	v7 =	vld [tilespmem:s1+$0xFFFFFFC0];
	v0 =	vmov v3  }
0x1e8: {  	v8 =	vld [tilespmem:s28+$0xFFFFFFC0];
	[tilespmem:s1+$0x0] =	vst v5  }
0x1e9: {  	v2 =	vadd.f32 v2, v6;
	v6 =	vld [tilespmem:s1+$0xFFFFFFD0]  }
0x1ea: {  	v9 =	vld [tilespmem:s28+$0xFFFFFFD0]  }
.Ltmp13:
0x1eb: {  	[tilespmem:s1+$0xFFFFFFA0] =	vst v2;
	v2 =	vadd.f32 v1, v4;
	v1 =	vld [tilespmem:s1+$0xFFFFFFE0];
	(pc) =	sbr.rel @p1 .LBB2_29-.Ltmp13, $4  }
0x1ec: {  	v3 =	vld [tilespmem:s28+$0xFFFFFFE0]  }
0x1ed: {  	[tilespmem:s1+$0xFFFFFFB0] =	vst v2;
	v7 =	vadd.f32 v8, v7;
	v2 =	vld [tilespmem:s1+$0xFFFFFFF0]  }
0x1ee: {  	v5 =	vld [tilespmem:s28+$0xFFFFFFF0]  }
0x1ef: {  	s1 =	sadd.s32 $0x400, s1;
	v4 =	vld [tilespmem:s26+$0xFFFFFF90];
	[tilespmem:s26+$0xFFFFFFC0] =	vst v7;
	v6 =	vadd.f32 v9, v6  }
0x1f0: {  	_ =	sdelay $0x1  }
0x1f1: {  	v1 =	vadd.f32 v3, v1  }
0x1f2: {  	[tilespmem:s26+$0xFFFFFFD0] =	vst v6;
	v2 =	vadd.f32 v5, v2  }
0x1f3: {  	[tilespmem:s26+$0xFFFFFFE0] =	vst v1;
	v0 =	vadd.f32 v0, v4  }
0x1f4: {  	[tilespmem:s26+$0xFFFFFFF0] =	vst v2  }
0x1f5: {  	[tilespmem:s26+$0xFFFFFF90] =	vst v0  }
0x1f6: {  	v1 =	vld [tilespmem:s24+$0x0]  }
0x1f7: {  	v2 =	vld [tilespmem:s25+$0x0]  }
0x1f8: {  	v0 =	vld [tilespmem:s25+$0xFFFFFF90]  }
0x1f9: {  	v3 =	vld [tilespmem:s24+$0xFFFFFFA0]  }
0x1fa: {  	v4 =	vld [tilespmem:s25+$0xFFFFFFA0]  }
0x1fb: {  	v5 =	vld [tilespmem:s24+$0xFFFFFFB0]  }
0x1fc: {  	v6 =	vld [tilespmem:s25+$0xFFFFFFB0]  }
0x1fd: {  	v7 =	vld [tilespmem:s24+$0xFFFFFFC0]  }
0x1fe: {  	v8 =	vld [tilespmem:s25+$0xFFFFFFC0]  }
0x1ff: {  	v9 =	vld [tilespmem:s24+$0xFFFFFFD0]  }
0x200: {  	v10 =	vld [tilespmem:s25+$0xFFFFFFD0];
	v2 =	vadd.f32 v2, v1  }
0x201: {  	v4 =	vadd.f32 v4, v3;
	v1 =	vld [tilespmem:s24+$0xFFFFFFE0]  }
0x202: {  	v5 =	vadd.f32 v6, v5;
	v3 =	vld [tilespmem:s25+$0xFFFFFFE0];
	[tilespmem:s24+$0x0] =	vst v2  }
0x203: {  	v6 =	vadd.f32 v8, v7;
	[tilespmem:s24+$0xFFFFFFA0] =	vst v4;
	v2 =	vld [tilespmem:s24+$0xFFFFFFF0]  }
0x204: {  	[tilespmem:s24+$0xFFFFFFB0] =	vst v5;
	v5 =	vld [tilespmem:s25+$0xFFFFFFF0]  }
0x205: {  	s0 =	simm.s32 $0x0;
	s1 =	sadd.s32 $0x400, s24;
	v4 =	vld [tilespmem:s24+$0xFFFFFF90];
	[tilespmem:s24+$0xFFFFFFC0] =	vst v6;
	v6 =	vadd.f32 v10, v9  }
.LBB2_31:
0x206: {  	v7 =	vld [tilespmem:s1+$0x0];
	s25 =	sadd.s32 $0x400, s25  }
0x207: {  	s0 =	sadd.s32 $0x80, s0;
	v8 =	vld [tilespmem:s25+$0x0];
	[tilespmem:s24+$0xFFFFFFD0] =	vst v6;
	v1 =	vadd.f32 v3, v1  }
0x208: {  	p1 =	slt.u32 s0, $0x380;
	v3 =	vld [tilespmem:s25+$0xFFFFFF90]  }
0x209: {  	v6 =	vld [tilespmem:s1+$0xFFFFFFA0];
	[tilespmem:s24+$0xFFFFFFE0] =	vst v1;
	v1 =	vadd.f32 v5, v2  }
0x20a: {  	v2 =	vld [tilespmem:s25+$0xFFFFFFA0];
	v9 =	vadd.f32 v0, v4  }
0x20b: {  	v4 =	vld [tilespmem:s1+$0xFFFFFFB0];
	[tilespmem:s24+$0xFFFFFFF0] =	vst v1  }
0x20c: {  	v1 =	vld [tilespmem:s25+$0xFFFFFFB0];
	v5 =	vadd.f32 v8, v7;
	[tilespmem:s24+$0xFFFFFF90] =	vst v9;
	s24 =	smov.u32 s1  }
0x20d: {  	v7 =	vld [tilespmem:s1+$0xFFFFFFC0];
	v0 =	vmov v3  }
0x20e: {  	v8 =	vld [tilespmem:s25+$0xFFFFFFC0];
	[tilespmem:s1+$0x0] =	vst v5  }
0x20f: {  	v2 =	vadd.f32 v2, v6;
	v6 =	vld [tilespmem:s1+$0xFFFFFFD0]  }
0x210: {  	v9 =	vld [tilespmem:s25+$0xFFFFFFD0]  }
.Ltmp14:
0x211: {  	[tilespmem:s1+$0xFFFFFFA0] =	vst v2;
	v2 =	vadd.f32 v1, v4;
	v1 =	vld [tilespmem:s1+$0xFFFFFFE0];
	(pc) =	sbr.rel @p1 .LBB2_31-.Ltmp14, $4  }
0x212: {  	v3 =	vld [tilespmem:s25+$0xFFFFFFE0]  }
0x213: {  	[tilespmem:s1+$0xFFFFFFB0] =	vst v2;
	v7 =	vadd.f32 v8, v7;
	v2 =	vld [tilespmem:s1+$0xFFFFFFF0]  }
0x214: {  	v5 =	vld [tilespmem:s25+$0xFFFFFFF0]  }
0x215: {  	s1 =	sadd.s32 $0x400, s1;
	v4 =	vld [tilespmem:s24+$0xFFFFFF90];
	[tilespmem:s24+$0xFFFFFFC0] =	vst v7;
	v6 =	vadd.f32 v9, v6  }
0x216: {  	_ =	sdelay $0x1  }
0x217: {  	v1 =	vadd.f32 v3, v1  }
0x218: {  	[tilespmem:s24+$0xFFFFFFD0] =	vst v6;
	v2 =	vadd.f32 v5, v2  }
0x219: {  	[tilespmem:s24+$0xFFFFFFE0] =	vst v1;
	v0 =	vadd.f32 v0, v4  }
0x21a: {  	[tilespmem:s24+$0xFFFFFFF0] =	vst v2  }
0x21b: {  	[tilespmem:s24+$0xFFFFFF90] =	vst v0  }
0x21c: {  	v1 =	vld [tilespmem:s6+$0x0]  }
0x21d: {  	v2 =	vld [tilespmem:s23+$0x0]  }
0x21e: {  	v0 =	vld [tilespmem:s23+$0xFFFFFF90]  }
0x21f: {  	v3 =	vld [tilespmem:s6+$0xFFFFFFA0]  }
0x220: {  	v4 =	vld [tilespmem:s23+$0xFFFFFFA0]  }
0x221: {  	v5 =	vld [tilespmem:s6+$0xFFFFFFB0]  }
0x222: {  	v6 =	vld [tilespmem:s23+$0xFFFFFFB0]  }
0x223: {  	v7 =	vld [tilespmem:s6+$0xFFFFFFC0]  }
0x224: {  	v8 =	vld [tilespmem:s23+$0xFFFFFFC0]  }
0x225: {  	v9 =	vld [tilespmem:s6+$0xFFFFFFD0]  }
0x226: {  	v10 =	vld [tilespmem:s23+$0xFFFFFFD0];
	v2 =	vadd.f32 v2, v1  }
0x227: {  	v4 =	vadd.f32 v4, v3;
	v1 =	vld [tilespmem:s6+$0xFFFFFFE0]  }
0x228: {  	v5 =	vadd.f32 v6, v5;
	v3 =	vld [tilespmem:s23+$0xFFFFFFE0];
	[tilespmem:s6+$0x0] =	vst v2  }
0x229: {  	v6 =	vadd.f32 v8, v7;
	[tilespmem:s6+$0xFFFFFFA0] =	vst v4;
	v2 =	vld [tilespmem:s6+$0xFFFFFFF0]  }
0x22a: {  	[tilespmem:s6+$0xFFFFFFB0] =	vst v5;
	v5 =	vld [tilespmem:s23+$0xFFFFFFF0]  }
0x22b: {  	s0 =	simm.s32 $0x0;
	s1 =	sadd.s32 $0x400, s6;
	v4 =	vld [tilespmem:s6+$0xFFFFFF90];
	[tilespmem:s6+$0xFFFFFFC0] =	vst v6;
	v6 =	vadd.f32 v10, v9  }
.LBB2_33:
0x22c: {  	v7 =	vld [tilespmem:s1+$0x0];
	s23 =	sadd.s32 $0x400, s23  }
0x22d: {  	s0 =	sadd.s32 $0x80, s0;
	v8 =	vld [tilespmem:s23+$0x0];
	[tilespmem:s6+$0xFFFFFFD0] =	vst v6;
	v1 =	vadd.f32 v3, v1  }
0x22e: {  	p1 =	slt.u32 s0, $0x380;
	v3 =	vld [tilespmem:s23+$0xFFFFFF90]  }
0x22f: {  	v6 =	vld [tilespmem:s1+$0xFFFFFFA0];
	[tilespmem:s6+$0xFFFFFFE0] =	vst v1;
	v1 =	vadd.f32 v5, v2  }
0x230: {  	v2 =	vld [tilespmem:s23+$0xFFFFFFA0];
	v9 =	vadd.f32 v0, v4  }
0x231: {  	v4 =	vld [tilespmem:s1+$0xFFFFFFB0];
	[tilespmem:s6+$0xFFFFFFF0] =	vst v1  }
0x232: {  	v1 =	vld [tilespmem:s23+$0xFFFFFFB0];
	v5 =	vadd.f32 v8, v7;
	[tilespmem:s6+$0xFFFFFF90] =	vst v9;
	s6 =	smov.u32 s1  }
0x233: {  	v7 =	vld [tilespmem:s1+$0xFFFFFFC0];
	v0 =	vmov v3  }
0x234: {  	v8 =	vld [tilespmem:s23+$0xFFFFFFC0];
	[tilespmem:s1+$0x0] =	vst v5  }
0x235: {  	v2 =	vadd.f32 v2, v6;
	v6 =	vld [tilespmem:s1+$0xFFFFFFD0]  }
0x236: {  	v9 =	vld [tilespmem:s23+$0xFFFFFFD0]  }
.Ltmp15:
0x237: {  	[tilespmem:s1+$0xFFFFFFA0] =	vst v2;
	v2 =	vadd.f32 v1, v4;
	v1 =	vld [tilespmem:s1+$0xFFFFFFE0];
	(pc) =	sbr.rel @p1 .LBB2_33-.Ltmp15, $4  }
0x238: {  	v3 =	vld [tilespmem:s23+$0xFFFFFFE0]  }
0x239: {  	[tilespmem:s1+$0xFFFFFFB0] =	vst v2;
	v7 =	vadd.f32 v8, v7;
	v2 =	vld [tilespmem:s1+$0xFFFFFFF0]  }
0x23a: {  	v5 =	vld [tilespmem:s23+$0xFFFFFFF0]  }
0x23b: {  	s1 =	sadd.s32 $0x400, s1;
	v4 =	vld [tilespmem:s6+$0xFFFFFF90];
	[tilespmem:s6+$0xFFFFFFC0] =	vst v7;
	v6 =	vadd.f32 v9, v6  }
0x23c: {  	_ =	sdelay $0x1  }
0x23d: {  	v1 =	vadd.f32 v3, v1  }
0x23e: {  	[tilespmem:s6+$0xFFFFFFD0] =	vst v6;
	v2 =	vadd.f32 v5, v2  }
0x23f: {  	[tilespmem:s6+$0xFFFFFFE0] =	vst v1;
	v0 =	vadd.f32 v0, v4  }
0x240: {  	[tilespmem:s6+$0xFFFFFFF0] =	vst v2  }
0x241: {  	[tilespmem:s6+$0xFFFFFF90] =	vst v0  }
0x242: {  	v1 =	vld [tilespmem:s3+$0x0]  }
0x243: {  	v2 =	vld [tilespmem:s21+$0x0]  }
0x244: {  	v0 =	vld [tilespmem:s21+$0xFFFFFF90]  }
0x245: {  	v3 =	vld [tilespmem:s3+$0xFFFFFFA0]  }
0x246: {  	v4 =	vld [tilespmem:s21+$0xFFFFFFA0]  }
0x247: {  	v5 =	vld [tilespmem:s3+$0xFFFFFFB0]  }
0x248: {  	v6 =	vld [tilespmem:s21+$0xFFFFFFB0]  }
0x249: {  	v7 =	vld [tilespmem:s3+$0xFFFFFFC0]  }
0x24a: {  	v8 =	vld [tilespmem:s21+$0xFFFFFFC0]  }
0x24b: {  	v9 =	vld [tilespmem:s3+$0xFFFFFFD0]  }
0x24c: {  	v10 =	vld [tilespmem:s21+$0xFFFFFFD0];
	v2 =	vadd.f32 v2, v1  }
0x24d: {  	v4 =	vadd.f32 v4, v3;
	v1 =	vld [tilespmem:s3+$0xFFFFFFE0]  }
0x24e: {  	v5 =	vadd.f32 v6, v5;
	v3 =	vld [tilespmem:s21+$0xFFFFFFE0];
	[tilespmem:s3+$0x0] =	vst v2  }
0x24f: {  	v6 =	vadd.f32 v8, v7;
	[tilespmem:s3+$0xFFFFFFA0] =	vst v4;
	v2 =	vld [tilespmem:s3+$0xFFFFFFF0]  }
0x250: {  	[tilespmem:s3+$0xFFFFFFB0] =	vst v5;
	v5 =	vld [tilespmem:s21+$0xFFFFFFF0]  }
0x251: {  	s0 =	simm.s32 $0x0;
	s1 =	sadd.s32 $0x400, s3;
	v4 =	vld [tilespmem:s3+$0xFFFFFF90];
	[tilespmem:s3+$0xFFFFFFC0] =	vst v6;
	v6 =	vadd.f32 v10, v9  }
.LBB2_35:
0x252: {  	v7 =	vld [tilespmem:s1+$0x0];
	s21 =	sadd.s32 $0x400, s21  }
0x253: {  	s0 =	sadd.s32 $0x80, s0;
	v8 =	vld [tilespmem:s21+$0x0];
	[tilespmem:s3+$0xFFFFFFD0] =	vst v6;
	v1 =	vadd.f32 v3, v1  }
0x254: {  	p1 =	slt.u32 s0, $0x380;
	v3 =	vld [tilespmem:s21+$0xFFFFFF90]  }
0x255: {  	v6 =	vld [tilespmem:s1+$0xFFFFFFA0];
	[tilespmem:s3+$0xFFFFFFE0] =	vst v1;
	v1 =	vadd.f32 v5, v2  }
0x256: {  	v2 =	vld [tilespmem:s21+$0xFFFFFFA0];
	v9 =	vadd.f32 v0, v4  }
0x257: {  	v4 =	vld [tilespmem:s1+$0xFFFFFFB0];
	[tilespmem:s3+$0xFFFFFFF0] =	vst v1  }
0x258: {  	v1 =	vld [tilespmem:s21+$0xFFFFFFB0];
	v5 =	vadd.f32 v8, v7;
	[tilespmem:s3+$0xFFFFFF90] =	vst v9;
	s3 =	smov.u32 s1  }
0x259: {  	v7 =	vld [tilespmem:s1+$0xFFFFFFC0];
	v0 =	vmov v3  }
0x25a: {  	v8 =	vld [tilespmem:s21+$0xFFFFFFC0];
	[tilespmem:s1+$0x0] =	vst v5  }
0x25b: {  	v2 =	vadd.f32 v2, v6;
	v6 =	vld [tilespmem:s1+$0xFFFFFFD0]  }
0x25c: {  	v9 =	vld [tilespmem:s21+$0xFFFFFFD0]  }
.Ltmp16:
0x25d: {  	[tilespmem:s1+$0xFFFFFFA0] =	vst v2;
	v2 =	vadd.f32 v1, v4;
	v1 =	vld [tilespmem:s1+$0xFFFFFFE0];
	(pc) =	sbr.rel @p1 .LBB2_35-.Ltmp16, $4  }
0x25e: {  	v3 =	vld [tilespmem:s21+$0xFFFFFFE0]  }
0x25f: {  	[tilespmem:s1+$0xFFFFFFB0] =	vst v2;
	v7 =	vadd.f32 v8, v7;
	v2 =	vld [tilespmem:s1+$0xFFFFFFF0]  }
0x260: {  	v5 =	vld [tilespmem:s21+$0xFFFFFFF0]  }
0x261: {  	s1 =	sadd.s32 $0x400, s1;
	v4 =	vld [tilespmem:s3+$0xFFFFFF90];
	[tilespmem:s3+$0xFFFFFFC0] =	vst v7;
	v6 =	vadd.f32 v9, v6  }
0x262: {  	_ =	sdelay $0x1  }
0x263: {  	v1 =	vadd.f32 v3, v1  }
0x264: {  	[tilespmem:s3+$0xFFFFFFD0] =	vst v6;
	v2 =	vadd.f32 v5, v2  }
0x265: {  	[tilespmem:s3+$0xFFFFFFE0] =	vst v1;
	v0 =	vadd.f32 v0, v4  }
0x266: {  	[tilespmem:s3+$0xFFFFFFF0] =	vst v2  }
0x267: {  	[tilespmem:s3+$0xFFFFFF90] =	vst v0  }
0x268: {  	v1 =	vld [tilespmem:s2+$0x0]  }
0x269: {  	v2 =	vld [tilespmem:s18+$0x0]  }
0x26a: {  	v0 =	vld [tilespmem:s18+$0xFFFFFF90]  }
0x26b: {  	v3 =	vld [tilespmem:s2+$0xFFFFFFA0]  }
0x26c: {  	v4 =	vld [tilespmem:s18+$0xFFFFFFA0]  }
0x26d: {  	v5 =	vld [tilespmem:s2+$0xFFFFFFB0]  }
0x26e: {  	v6 =	vld [tilespmem:s18+$0xFFFFFFB0]  }
0x26f: {  	v7 =	vld [tilespmem:s2+$0xFFFFFFC0]  }
0x270: {  	v8 =	vld [tilespmem:s18+$0xFFFFFFC0]  }
0x271: {  	v9 =	vld [tilespmem:s2+$0xFFFFFFD0]  }
0x272: {  	v10 =	vld [tilespmem:s18+$0xFFFFFFD0];
	v2 =	vadd.f32 v2, v1  }
0x273: {  	v4 =	vadd.f32 v4, v3;
	v1 =	vld [tilespmem:s2+$0xFFFFFFE0]  }
0x274: {  	v5 =	vadd.f32 v6, v5;
	v3 =	vld [tilespmem:s18+$0xFFFFFFE0];
	[tilespmem:s2+$0x0] =	vst v2  }
0x275: {  	v6 =	vadd.f32 v8, v7;
	[tilespmem:s2+$0xFFFFFFA0] =	vst v4;
	v2 =	vld [tilespmem:s2+$0xFFFFFFF0]  }
0x276: {  	[tilespmem:s2+$0xFFFFFFB0] =	vst v5;
	v5 =	vld [tilespmem:s18+$0xFFFFFFF0]  }
0x277: {  	s0 =	simm.s32 $0x0;
	s1 =	sadd.s32 $0x400, s2;
	v4 =	vld [tilespmem:s2+$0xFFFFFF90];
	[tilespmem:s2+$0xFFFFFFC0] =	vst v6;
	v6 =	vadd.f32 v10, v9  }
.LBB2_37:
0x278: {  	v7 =	vld [tilespmem:s1+$0x0];
	s18 =	sadd.s32 $0x400, s18  }
0x279: {  	s0 =	sadd.s32 $0x80, s0;
	v8 =	vld [tilespmem:s18+$0x0];
	[tilespmem:s2+$0xFFFFFFD0] =	vst v6;
	v1 =	vadd.f32 v3, v1  }
0x27a: {  	p1 =	slt.u32 s0, $0x380;
	v3 =	vld [tilespmem:s18+$0xFFFFFF90]  }
0x27b: {  	v6 =	vld [tilespmem:s1+$0xFFFFFFA0];
	[tilespmem:s2+$0xFFFFFFE0] =	vst v1;
	v1 =	vadd.f32 v5, v2  }
0x27c: {  	v2 =	vld [tilespmem:s18+$0xFFFFFFA0];
	v9 =	vadd.f32 v0, v4  }
0x27d: {  	v4 =	vld [tilespmem:s1+$0xFFFFFFB0];
	[tilespmem:s2+$0xFFFFFFF0] =	vst v1  }
0x27e: {  	v1 =	vld [tilespmem:s18+$0xFFFFFFB0];
	v5 =	vadd.f32 v8, v7;
	[tilespmem:s2+$0xFFFFFF90] =	vst v9;
	s2 =	smov.u32 s1  }
0x27f: {  	v7 =	vld [tilespmem:s1+$0xFFFFFFC0];
	v0 =	vmov v3  }
0x280: {  	v8 =	vld [tilespmem:s18+$0xFFFFFFC0];
	[tilespmem:s1+$0x0] =	vst v5  }
0x281: {  	v2 =	vadd.f32 v2, v6;
	v6 =	vld [tilespmem:s1+$0xFFFFFFD0]  }
0x282: {  	v9 =	vld [tilespmem:s18+$0xFFFFFFD0]  }
.Ltmp17:
0x283: {  	[tilespmem:s1+$0xFFFFFFA0] =	vst v2;
	v2 =	vadd.f32 v1, v4;
	v1 =	vld [tilespmem:s1+$0xFFFFFFE0];
	(pc) =	sbr.rel @p1 .LBB2_37-.Ltmp17, $4  }
0x284: {  	v3 =	vld [tilespmem:s18+$0xFFFFFFE0]  }
0x285: {  	[tilespmem:s1+$0xFFFFFFB0] =	vst v2;
	v7 =	vadd.f32 v8, v7;
	v2 =	vld [tilespmem:s1+$0xFFFFFFF0]  }
0x286: {  	v5 =	vld [tilespmem:s18+$0xFFFFFFF0]  }
0x287: {  	s1 =	sadd.s32 $0x400, s1;
	v4 =	vld [tilespmem:s2+$0xFFFFFF90];
	[tilespmem:s2+$0xFFFFFFC0] =	vst v7;
	v6 =	vadd.f32 v9, v6  }
0x288: {  	_ =	sdelay $0x1  }
0x289: {  	v1 =	vadd.f32 v3, v1  }
0x28a: {  	[tilespmem:s2+$0xFFFFFFD0] =	vst v6;
	v2 =	vadd.f32 v5, v2  }
0x28b: {  	p1 =	sne.s32 s5, $0x4;
	[tilespmem:s2+$0xFFFFFFE0] =	vst v1;
	v0 =	vadd.f32 v0, v4  }
.Ltmp18:
0x28c: {  	[tilespmem:s2+$0xFFFFFFF0] =	vst v2;
	(pc) =	sbr.rel @p1 .LBB2_2-.Ltmp18, $4  }
0x28d: {  	s0 =	sshll.u32 s4, $0xB;
	[tilespmem:s2+$0xFFFFFF90] =	vst v0  }
0x28e: {  	s31 =	simm.s32 $0x0;
	p0 =	por !p0, !p0;
	s1 =	rddreg [dreg:$0x8]  }
0x28f: {  	s4 =	smov.u32 s5;
	s2 =	rddreg [dreg:$0xe];
	s0 =	sadd.s32 s0, s1  }
0x290: {  	[hbm4b:s0+s31] =	stream.linear.scatter [tilespmem:s2], [sflag:$0x2], $0x4000, $0x38;
	[tilespmem:$0x10000] =	vst v63  }
0x291: {  	s1 =	simm.s32 $0x2  }
0x292: {  	_ =	swait.ge [sflag:s1], $0x4000  }
0x293: {  	[sflag:s1] =	ssyncset.done $0x0  }
0x294: {  	[sflag:s1] =	ssyncadd.s32 $0xFFFFC000  }
0x295: {  	_ =	swait.ge [sflag:s1], $0x4000  }
0x296: {  	s2 =	rddreg [dreg:$0xa]  }
0x297: {  	s0 =	rddreg [dreg:$0x9];
	s2 =	sadd.s32 $0x1, s2  }
0x298: {  	p0 =	sne.s32 s2, s0  }
.Ltmp19:
0x299: {  	_ = 	snop;
	(pc) =	sbr.rel @p0 .LBB2_1-.Ltmp19, $3  }
0x29a: {  	_ =	sdelay $0x1  }
0x29b: {  	[sflag:s1] =	ssyncset.done $0x0  }
0x29c: {  	[sflag:s1] =	ssyncadd.s32 $0xFFFFC000;
	[dreg:$0xa] =	wrdreg s2  }
0x29d: {  	_ =	sfence.sel $0x180000  }
0x29e: {  	[bflag:$0x0] =	sbarrier.arrive $0xFFFF  }
0x29f: {  	_ =	strace $0x90000047  }
0x2a0: {  	s0 =	stileid.u32;
	[bflag:$0x2] =	sbarrier.arrive $0xFFFF  }
0x2a1: {  	p0 =	sne.s32 s0, $0x0;
	s0 =	rddreg [dreg:$0x3]  }
0x2a2: {  	s0 =	sadd.s32 @!p0 $0x100000, s0  }
0x2a3: {  	[sflag:s0] =	ssyncadd.tile.s32 @!p0 $0x1;
	_ =	shalt  }
.Lfunc_end2:
_tile_overlayer_lowered:
.L_overlay_start_2:
0x2a4: {  	(tag) =	ssettag $0x2  }
0x2a5: {  	s0 =	rddreg [dreg:$0x0];
	s2 =	stileid.u32  }
0x2a6: {  	s1 =	rddreg [dreg:$0x1];
	p0 =	sne.s32 s2, $0x0  }
0x2a7: {  	s3 =	rddreg [dreg:$0x2];
	[bflag:$0x3] =	sbarrier.arrive $0xFFFF;
	s2 =	simm.s32 @!p0 $0x1C03  }
0x2a8: {  	[timem:s3], [sflag:s2] =	dma.local @!p0 [hbm:s0], s1  }
0x2a9: {  	s0 =	simm.s32 @!p0 $0x3  }
0x2aa: {  	_ =	swait.ge @!p0 [sflag:s0], s1  }
0x2ab: {  	s1 =	ssub.s32 @!p0 $0x0, s1;
	[sflag:s0] =	ssyncset.done @!p0 $0x0  }
0x2ac: {  	[sflag:s0] =	ssyncadd.s32 @!p0 s1  }
0x2ad: {  	[bflag:$0x3] =	sbarrier.arrive $0xFFFF  }
0x2ae: {  	_ =	shalt  }

</sc_bundles>
